<compile_context>
chip_gen: v7x
topology: tpu7x:2x2x1
jax: 0.10.2.dev20260603
libtpu: 0.0.44.dev20260713+nightly
codegen_flags: <defaults>
</compile_context>

<pallas_src>
import functools

import jax
import jax.numpy as jnp
from jax import lax
from jax.experimental import pallas as pl
from jax.experimental.pallas import tpu as pltpu
from jax.experimental.pallas import tpu_sc as plsc

N = 10000
E = 320000
F_IN = 128
H = 64
NC = 2
NS = 16
NW = NC * NS
EP = E // NW
C = 80
EP_PAD = 10240
G = EP_PAD // C
N_PAD = 10240
NROWS = N_PAD // NS
DEGW = 16


def _make_sc_agg(with_deg: bool):
    mesh = plsc.VectorSubcoreMesh(core_axis_name="c", subcore_axis_name="s")
    out_type = [jax.ShapeDtypeStruct((NC, N_PAD, H), jnp.float32)]
    if with_deg:
        out_type.append(jax.ShapeDtypeStruct((NC, N_PAD, DEGW), jnp.float32))
    scratch = [
        pltpu.VMEM_SHARED((N_PAD, H), jnp.float32),
        pltpu.VMEM((G, C), jnp.int32),
        pltpu.VMEM((G, C), jnp.int32),
        [pltpu.VMEM((C, H), jnp.float32) for _ in range(2)],
        [pltpu.SemaphoreType.DMA for _ in range(2)],
    ]
    if with_deg:
        scratch += [
            pltpu.VMEM_SHARED((N_PAD, DEGW), jnp.float32),
            pltpu.VMEM((C, DEGW), jnp.float32),
        ]

    def body(y_hbm, row_hbm, col_hbm, z_h_hbm, z_d_hbm, ones_hbm,
             acc_out, *rest):
        if with_deg:
            deg_out, acc_sh, row_v, col_v, bufs, gsems, deg_sh, ones_v = rest
        else:
            acc_sh, row_v, col_v, bufs, gsems = rest
        cid = lax.axis_index("c")
        sid = lax.axis_index("s")
        wid = sid * NC + cid
        base_r = sid * NROWS

        pltpu.sync_copy(z_h_hbm.at[pl.ds(base_r, NROWS)],
                        acc_sh.at[pl.ds(base_r, NROWS)])
        if with_deg:
            pltpu.sync_copy(z_d_hbm.at[pl.ds(base_r, NROWS)],
                            deg_sh.at[pl.ds(base_r, NROWS)])
            pltpu.sync_copy(ones_hbm, ones_v)
        pltpu.sync_copy(row_hbm.at[wid], row_v)
        pltpu.sync_copy(col_hbm.at[wid], col_v)
        plsc.subcore_barrier()

        def fire_gather(g, b):
            pltpu.async_copy(y_hbm.at[col_v.at[g]], bufs[b], gsems[b])

        def drain_and_scatter(g, b):
            pltpu.make_async_copy(y_hbm.at[col_v.at[g]], bufs[b],
                                  gsems[b]).wait()
            pltpu.sync_copy(bufs[b], acc_sh.at[row_v.at[g]], add=True)
            if with_deg:
                pltpu.sync_copy(ones_v, deg_sh.at[row_v.at[g]], add=True)

        fire_gather(0, 0)
        fire_gather(1, 1)

        def pair(i, carry):
            for b in range(2):
                g = 2 * i + b
                drain_and_scatter(g, b)

                @pl.when(g + 2 < G)
                def _():
                    fire_gather(g + 2, b)
            return carry

        lax.fori_loop(0, G // 2, pair, 0)
        plsc.subcore_barrier()

        pltpu.sync_copy(acc_sh.at[pl.ds(base_r, NROWS)],
                        acc_out.at[cid, pl.ds(base_r, NROWS)])
        if with_deg:
            pltpu.sync_copy(deg_sh.at[pl.ds(base_r, NROWS)],
                            deg_out.at[cid, pl.ds(base_r, NROWS)])

    return pl.kernel(body, out_type=tuple(out_type), mesh=mesh,
                     scratch_types=scratch,
                     compiler_params=pltpu.CompilerParams(
                         use_tc_tiling_on_sc=False))


_sc_agg_deg = _make_sc_agg(with_deg=True)
_sc_agg = _make_sc_agg(with_deg=False)


def _mm(a, w):
    return lax.dot_general(a, w, (((1,), (1,)), ((), ())),
                           preferred_element_type=jnp.float32)


def _tc_pre_body(x_ref, wn_ref, ws_ref, y_ref, s_ref):
    x = x_ref[...]
    y_ref[...] = _mm(x, wn_ref[...])
    s_ref[...] = _mm(x, ws_ref[...])


_tc_pre = pl.pallas_call(
    _tc_pre_body,
    out_shape=(jax.ShapeDtypeStruct((N, H), jnp.float32),
               jax.ShapeDtypeStruct((N, H), jnp.float32)),
)


def _combine_ln(s, p_ref, inv, bs, bn, g, beta):
    neigh = (p_ref[0, :N, :] + p_ref[1, :N, :]) * inv
    z = jax.nn.relu(s + bs + neigh + bn)
    m = jnp.mean(z, axis=-1, keepdims=True)
    v = jnp.mean((z - m) * (z - m), axis=-1, keepdims=True)
    return (z - m) * lax.rsqrt(v + 1e-5) * g + beta


def _tc_mid1_body(s_ref, p_ref, dp_ref, bs_ref, bn_ref, g_ref, beta_ref,
                  wn_ref, ws_ref, y_ref, s2_ref, inv_ref):
    deg = dp_ref[0, :N, 0:1] + dp_ref[1, :N, 0:1]
    inv = 1.0 / jnp.maximum(deg, 1.0)
    inv_ref[...] = inv
    x = _combine_ln(s_ref[...], p_ref, inv, bs_ref[...], bn_ref[...],
                    g_ref[...], beta_ref[...])
    y_ref[...] = _mm(x, wn_ref[...])
    s2_ref[...] = _mm(x, ws_ref[...])


_tc_mid1 = pl.pallas_call(
    _tc_mid1_body,
    out_shape=(jax.ShapeDtypeStruct((N, H), jnp.float32),
               jax.ShapeDtypeStruct((N, H), jnp.float32),
               jax.ShapeDtypeStruct((N, 1), jnp.float32)),
)


def _tc_mid_body(s_ref, p_ref, inv_ref, bs_ref, bn_ref, g_ref, beta_ref,
                 wn_ref, ws_ref, y_ref, s2_ref):
    x = _combine_ln(s_ref[...], p_ref, inv_ref[...], bs_ref[...],
                    bn_ref[...], g_ref[...], beta_ref[...])
    y_ref[...] = _mm(x, wn_ref[...])
    s2_ref[...] = _mm(x, ws_ref[...])


_tc_mid = pl.pallas_call(
    _tc_mid_body,
    out_shape=(jax.ShapeDtypeStruct((N, H), jnp.float32),
               jax.ShapeDtypeStruct((N, H), jnp.float32)),
)


def _tc_final_body(s_ref, p_ref, inv_ref, bs_ref, bn_ref, g_ref, beta_ref,
                   hw1_ref, hb1_ref, hw2_ref, hb2_ref, out_ref):
    x = _combine_ln(s_ref[...], p_ref, inv_ref[...], bs_ref[...],
                    bn_ref[...], g_ref[...], beta_ref[...])
    h = jax.nn.relu(_mm(x, hw1_ref[...]) + hb1_ref[...])
    out_ref[...] = jnp.sum(h * hw2_ref[...], axis=-1, keepdims=True) + hb2_ref[0, 0]


_tc_final = pl.pallas_call(
    _tc_final_body,
    out_shape=jax.ShapeDtypeStruct((N, 1), jnp.float32),
)


def kernel(x, edge_index, params):
    pad_r = jnp.broadcast_to(N + jnp.arange(EP_PAD - EP, dtype=jnp.int32),
                             (NW, EP_PAD - EP))
    pad_c = jnp.broadcast_to(jnp.arange(EP_PAD - EP, dtype=jnp.int32),
                             (NW, EP_PAD - EP))
    row = jnp.concatenate(
        [edge_index[0].reshape(NW, EP), pad_r], axis=1).reshape(NW, G, C)
    col = jnp.concatenate(
        [edge_index[1].reshape(NW, EP), pad_c], axis=1).reshape(NW, G, C)
    z_h = jnp.zeros((N_PAD, H), jnp.float32)
    z_d = jnp.zeros((N_PAD, DEGW), jnp.float32)
    ones = jnp.ones((C, DEGW), jnp.float32)
    Ws, bs, Wn, bn = params["Ws"], params["bs"], params["Wn"], params["bn"]
    g, beta = params["g"], params["beta"]
    b2 = lambda v: v.reshape(1, -1)

    y1, s1 = _tc_pre(x, Wn[0], Ws[0])
    acc1, degp = _sc_agg_deg(y1, row, col, z_h, z_d, ones)
    y2, s2, inv = _tc_mid1(s1, acc1, degp, b2(bs[0]), b2(bn[0]), b2(g[0]),
                           b2(beta[0]), Wn[1], Ws[1])
    (acc2,) = _sc_agg(y2, row, col, z_h, z_d, ones)
    y3, s3 = _tc_mid(s2, acc2, inv, b2(bs[1]), b2(bn[1]), b2(g[1]),
                     b2(beta[1]), Wn[2], Ws[2])
    (acc3,) = _sc_agg(y3, row, col, z_h, z_d, ones)
    out = _tc_final(s3, acc3, inv, b2(bs[2]), b2(bn[2]), b2(g[2]),
                    b2(beta[2]), params["Hw1"], b2(params["Hb1"]),
                    params["Hw2"], b2(params["Hb2"]))
    return out.reshape(N)

# --- scband reference (transcript-rebuilt; emitter-appended) ---
"""Pipeline reference for scband-sagevol-model-27195732918655 (READ-ONLY COPY).

The authoritative reference and input builder live on the scoring server;
editing this copy changes nothing except your own understanding.
"""

import jax, jax.numpy as jnp
import numpy as np

N = 10000
E = 320000
F_IN = 128
H = 64
N_LAYERS = 3


def setup_inputs(seed: int = 0) -> dict:
    key = jax.random.key(seed)
    keys = jax.random.split(key, 32)
    dims = [F_IN] + [H] * N_LAYERS
    params = {"Ws": [], "bs": [], "Wn": [], "bn": [], "g": [], "beta": []}
    ki = 2
    for i in range(N_LAYERS):
        fan = dims[i]
        params["Ws"].append((jax.random.normal(keys[ki], (dims[i + 1], fan), dtype=jnp.float32) / np.sqrt(fan)).astype(jnp.float32)); ki += 1
        params["bs"].append(jnp.zeros((dims[i + 1],), dtype=jnp.float32))
        params["Wn"].append((jax.random.normal(keys[ki], (dims[i + 1], fan), dtype=jnp.float32) / np.sqrt(fan)).astype(jnp.float32)); ki += 1
        params["bn"].append(jnp.zeros((dims[i + 1],), dtype=jnp.float32))
        params["g"].append(jnp.ones((dims[i + 1],), dtype=jnp.float32))
        params["beta"].append(jnp.zeros((dims[i + 1],), dtype=jnp.float32))
    params["Hw1"] = (jax.random.normal(keys[ki], (H // 2, H), dtype=jnp.float32) / np.sqrt(H)).astype(jnp.float32); ki += 1
    params["Hb1"] = jnp.zeros((H // 2,), dtype=jnp.float32)
    params["Hw2"] = (jax.random.normal(keys[ki], (1, H // 2), dtype=jnp.float32) / np.sqrt(H // 2)).astype(jnp.float32); ki += 1
    params["Hb2"] = jnp.zeros((1,), dtype=jnp.float32)
    x = jax.random.normal(keys[0], (N, F_IN), dtype=jnp.float32)
    edge_index = jax.random.randint(keys[1], (2, E), 0, N, dtype=jnp.int32)
    return {"x": x, "edge_index": edge_index, "params": params}


def _sage_aggregate(x, row, col):
    agg = jax.ops.segment_sum(x[col], row, num_segments=N)
    deg = jax.ops.segment_sum(jnp.ones((row.shape[0], 1), dtype=x.dtype), row, num_segments=N)
    return agg / jnp.maximum(deg, 1.0)


def _layer_norm(x, g, b):
    m = jnp.mean(x, axis=-1, keepdims=True)
    v = jnp.var(x, axis=-1, keepdims=True)
    return (x - m) / jnp.sqrt(v + 1e-5) * g + b


def _forward(x, params, row, col):
    for i in range(N_LAYERS):
        neigh = _sage_aggregate(x, row, col)
        x_new = x @ params["Ws"][i].T + params["bs"][i] + neigh @ params["Wn"][i].T + params["bn"][i]
        x = _layer_norm(jax.nn.relu(x_new), params["g"][i], params["beta"][i])
        # dropout is a no-op in eval mode
    h = jax.nn.relu(x @ params["Hw1"].T + params["Hb1"])
    out = h @ params["Hw2"].T + params["Hb2"]
    return out.squeeze(-1)


def reference(x, edge_index, params):
    return _forward(x, params, edge_index[0], edge_index[1])

if __name__ == "__main__":
    import jax
    _d = setup_inputs()
    print(jax.jit(kernel)(*tuple(_d.values())))

</pallas_src>

<mosaic_0001>
#map = affine_map<(d0, d1) -> (0, 0)>
#map1 = affine_map<(d0, d1) -> (0, 0, 0)>
module attributes {stable_mosaic.version = 14 : i64} {
  func.func @body(%arg0: i32, %arg1: i32, %arg2: memref<10000x64xf32, #tpu.memory_space<hbm>>, %arg3: memref<32x128x80xi32, #tpu.memory_space<hbm>>, %arg4: memref<32x128x80xi32, #tpu.memory_space<hbm>>, %arg5: memref<10240x64xf32, #tpu.memory_space<hbm>>, %arg6: memref<10240x16xf32, #tpu.memory_space<hbm>>, %arg7: memref<80x16xf32, #tpu.memory_space<hbm>>, %arg8: memref<2x10240x64xf32, #tpu.memory_space<hbm>>, %arg9: memref<10240x64xf32, #tpu.memory_space<vmem_shared>>, %arg10: memref<128x80xi32, #tpu.memory_space<vmem>>, %arg11: memref<128x80xi32, #tpu.memory_space<vmem>>, %arg12: memref<80x64xf32, #tpu.memory_space<vmem>>, %arg13: memref<80x64xf32, #tpu.memory_space<vmem>>, %arg14: memref<!tpu.dma_semaphore, #tpu.memory_space<semaphore_mem>>, %arg15: memref<!tpu.dma_semaphore, #tpu.memory_space<semaphore_mem>>) attributes {dimension_semantics = [#tpu.dimension_semantics<core_parallel>, #tpu.dimension_semantics<subcore_parallel>], iteration_bounds = array<i64: 2, 16>, scalar_prefetch = 0 : i64, scratch_operands = 7 : i64, tpu.core_type = #tpu.core_type<sc_vector_subcore>, window_params = [{transform_indices = #map}, {transform_indices = #map1}, {transform_indices = #map1}, {transform_indices = #map}, {transform_indices = #map}, {transform_indices = #map}, {transform_indices = #map1}]} {
    %mul3A = arith.constant 2 : i32
    %mul3A_0 = arith.muli %arg1, %mul3A : i32
    %add3A = arith.addi %mul3A_0, %arg0 : i32
    %mul3A_1 = arith.constant 640 : i32
    %mul3A_2 = arith.muli %arg1, %mul3A_1 : i32
    "tpu.region"() ({
      %run_scoped3A = tpu.sem_alloc : memref<!tpu.dma_semaphore, #tpu.memory_space<semaphore_mem>>
      %dma_start3A_22 = arith.constant 0 : i32
      %dma_start3A_23 = tpu.memref_slice %arg9[%mul3A_2, %dma_start3A_22] : memref<10240x64xf32, #tpu.memory_space<vmem_shared>> -> memref<640x64xf32, #tpu.memory_space<vmem_shared>>
      %dma_start3A_24 = arith.constant 0 : i32
      %dma_start3A_25 = tpu.memref_slice %arg5[%mul3A_2, %dma_start3A_24] : memref<10240x64xf32, #tpu.memory_space<hbm>> -> memref<640x64xf32, #tpu.memory_space<hbm>>
      tpu.enqueue_dma source(%dma_start3A_25 : memref<640x64xf32, #tpu.memory_space<hbm>>) target(%dma_start3A_23 : memref<640x64xf32, #tpu.memory_space<vmem_shared>>) target_semaphore(%run_scoped3A : memref<!tpu.dma_semaphore, #tpu.memory_space<semaphore_mem>>)
      %dma_wait3A = arith.constant 0 : i32
      %dma_wait3A_26 = tpu.memref_slice %arg9[%mul3A_2, %dma_wait3A] : memref<10240x64xf32, #tpu.memory_space<vmem_shared>> -> memref<640x64xf32, #tpu.memory_space<vmem_shared>>
      %dma_wait3A_27 = arith.constant 0 : i32
      %dma_wait3A_28 = tpu.memref_slice %arg5[%mul3A_2, %dma_wait3A_27] : memref<10240x64xf32, #tpu.memory_space<hbm>> -> memref<640x64xf32, #tpu.memory_space<hbm>>
      tpu.wait_dma2 semaphore(%run_scoped3A : memref<!tpu.dma_semaphore, #tpu.memory_space<semaphore_mem>>) src(%dma_wait3A_28 : memref<640x64xf32, #tpu.memory_space<hbm>>) dst(%dma_wait3A_26 : memref<640x64xf32, #tpu.memory_space<vmem_shared>>)
      tpu.yield
    }) : () -> ()
    "tpu.region"() ({
      %run_scoped3A = tpu.sem_alloc : memref<!tpu.dma_semaphore, #tpu.memory_space<semaphore_mem>>
      %dma_start3A_22 = arith.constant 0 : i32
      %dma_start3A_23 = arith.constant 0 : i32
      %dma_start3A_24 = tpu.memref_slice %arg3[%add3A, %dma_start3A_22, %dma_start3A_23] : memref<32x128x80xi32, #tpu.memory_space<hbm>> -> memref<1x128x80xi32, #tpu.memory_space<hbm>>
      %dma_start3A_25 = tpu.memref_squeeze %dma_start3A_24 : memref<1x128x80xi32, #tpu.memory_space<hbm>> -> memref<128x80xi32, #tpu.memory_space<hbm>>
      %dma_start3A_26 = arith.constant 0 : i32
      %dma_start3A_27 = arith.constant 0 : i32
      %dma_start3A_28 = tpu.memref_slice %arg3[%add3A, %dma_start3A_26, %dma_start3A_27] : memref<32x128x80xi32, #tpu.memory_space<hbm>> -> memref<1x128x80xi32, #tpu.memory_space<hbm>>
      %dma_start3A_29 = tpu.memref_squeeze %dma_start3A_28 : memref<1x128x80xi32, #tpu.memory_space<hbm>> -> memref<128x80xi32, #tpu.memory_space<hbm>>
      tpu.enqueue_dma source(%dma_start3A_29 : memref<128x80xi32, #tpu.memory_space<hbm>>) target(%arg10 : memref<128x80xi32, #tpu.memory_space<vmem>>) target_semaphore(%run_scoped3A : memref<!tpu.dma_semaphore, #tpu.memory_space<semaphore_mem>>)
      %dma_wait3A = arith.constant 0 : i32
      %dma_wait3A_30 = arith.constant 0 : i32
      %dma_wait3A_31 = tpu.memref_slice %arg3[%add3A, %dma_wait3A, %dma_wait3A_30] : memref<32x128x80xi32, #tpu.memory_space<hbm>> -> memref<1x128x80xi32, #tpu.memory_space<hbm>>
      %dma_wait3A_32 = tpu.memref_squeeze %dma_wait3A_31 : memref<1x128x80xi32, #tpu.memory_space<hbm>> -> memref<128x80xi32, #tpu.memory_space<hbm>>
      %dma_wait3A_33 = arith.constant 0 : i32
      %dma_wait3A_34 = arith.constant 0 : i32
      %dma_wait3A_35 = tpu.memref_slice %arg3[%add3A, %dma_wait3A_33, %dma_wait3A_34] : memref<32x128x80xi32, #tpu.memory_space<hbm>> -> memref<1x128x80xi32, #tpu.memory_space<hbm>>
      %dma_wait3A_36 = tpu.memref_squeeze %dma_wait3A_35 : memref<1x128x80xi32, #tpu.memory_space<hbm>> -> memref<128x80xi32, #tpu.memory_space<hbm>>
      tpu.wait_dma2 semaphore(%run_scoped3A : memref<!tpu.dma_semaphore, #tpu.memory_space<semaphore_mem>>) src(%dma_wait3A_36 : memref<128x80xi32, #tpu.memory_space<hbm>>) dst(%arg10 : memref<128x80xi32, #tpu.memory_space<vmem>>)
      tpu.yield
    }) : () -> ()
    "tpu.region"() ({
      %run_scoped3A = tpu.sem_alloc : memref<!tpu.dma_semaphore, #tpu.memory_space<semaphore_mem>>
      %dma_start3A_22 = arith.constant 0 : i32
      %dma_start3A_23 = arith.constant 0 : i32
      %dma_start3A_24 = tpu.memref_slice %arg4[%add3A, %dma_start3A_22, %dma_start3A_23] : memref<32x128x80xi32, #tpu.memory_space<hbm>> -> memref<1x128x80xi32, #tpu.memory_space<hbm>>
      %dma_start3A_25 = tpu.memref_squeeze %dma_start3A_24 : memref<1x128x80xi32, #tpu.memory_space<hbm>> -> memref<128x80xi32, #tpu.memory_space<hbm>>
      %dma_start3A_26 = arith.constant 0 : i32
      %dma_start3A_27 = arith.constant 0 : i32
      %dma_start3A_28 = tpu.memref_slice %arg4[%add3A, %dma_start3A_26, %dma_start3A_27] : memref<32x128x80xi32, #tpu.memory_space<hbm>> -> memref<1x128x80xi32, #tpu.memory_space<hbm>>
      %dma_start3A_29 = tpu.memref_squeeze %dma_start3A_28 : memref<1x128x80xi32, #tpu.memory_space<hbm>> -> memref<128x80xi32, #tpu.memory_space<hbm>>
      tpu.enqueue_dma source(%dma_start3A_29 : memref<128x80xi32, #tpu.memory_space<hbm>>) target(%arg11 : memref<128x80xi32, #tpu.memory_space<vmem>>) target_semaphore(%run_scoped3A : memref<!tpu.dma_semaphore, #tpu.memory_space<semaphore_mem>>)
      %dma_wait3A = arith.constant 0 : i32
      %dma_wait3A_30 = arith.constant 0 : i32
      %dma_wait3A_31 = tpu.memref_slice %arg4[%add3A, %dma_wait3A, %dma_wait3A_30] : memref<32x128x80xi32, #tpu.memory_space<hbm>> -> memref<1x128x80xi32, #tpu.memory_space<hbm>>
      %dma_wait3A_32 = tpu.memref_squeeze %dma_wait3A_31 : memref<1x128x80xi32, #tpu.memory_space<hbm>> -> memref<128x80xi32, #tpu.memory_space<hbm>>
      %dma_wait3A_33 = arith.constant 0 : i32
      %dma_wait3A_34 = arith.constant 0 : i32
      %dma_wait3A_35 = tpu.memref_slice %arg4[%add3A, %dma_wait3A_33, %dma_wait3A_34] : memref<32x128x80xi32, #tpu.memory_space<hbm>> -> memref<1x128x80xi32, #tpu.memory_space<hbm>>
      %dma_wait3A_36 = tpu.memref_squeeze %dma_wait3A_35 : memref<1x128x80xi32, #tpu.memory_space<hbm>> -> memref<128x80xi32, #tpu.memory_space<hbm>>
      tpu.wait_dma2 semaphore(%run_scoped3A : memref<!tpu.dma_semaphore, #tpu.memory_space<semaphore_mem>>) src(%dma_wait3A_36 : memref<128x80xi32, #tpu.memory_space<hbm>>) dst(%arg11 : memref<128x80xi32, #tpu.memory_space<vmem>>)
      tpu.yield
    }) : () -> ()
    %barrier3A = arith.constant 0 : index
    tpu.barrier barrier_id(%barrier3A)
    %dma_start3A = arith.constant 0 : i32
    %dma_start3A_3 = arith.constant 0 : i32
    %dma_start3A_4 = tpu.memref_slice %arg11[%dma_start3A, %dma_start3A_3] : memref<128x80xi32, #tpu.memory_space<vmem>> -> memref<1x80xi32, #tpu.memory_space<vmem>>
    %dma_start3A_5 = tpu.memref_squeeze %dma_start3A_4 : memref<1x80xi32, #tpu.memory_space<vmem>> -> memref<80xi32, #tpu.memory_space<vmem>>
    %dma_start3A_6 = arith.constant 0 : i32
    %dma_start3A_7 = arith.constant 0 : i32
    %dma_start3A_8 = tpu.memref_slice %arg2[%dma_start3A_6, %dma_start3A_7] : memref<10000x64xf32, #tpu.memory_space<hbm>> -> memref<10000x64xf32, #tpu.memory_space<hbm>>
    tpu.enqueue_indirect_dma source(%dma_start3A_8 : memref<10000x64xf32, #tpu.memory_space<hbm>>) target(%arg12 : memref<80x64xf32, #tpu.memory_space<vmem>>) offsets(%dma_start3A_5 : memref<80xi32, #tpu.memory_space<vmem>>) semaphore(%arg14 : memref<!tpu.dma_semaphore, #tpu.memory_space<semaphore_mem>>)
    %dma_start3A_9 = arith.constant 1 : i32
    %dma_start3A_10 = arith.constant 0 : i32
    %dma_start3A_11 = tpu.memref_slice %arg11[%dma_start3A_9, %dma_start3A_10] : memref<128x80xi32, #tpu.memory_space<vmem>> -> memref<1x80xi32, #tpu.memory_space<vmem>>
    %dma_start3A_12 = tpu.memref_squeeze %dma_start3A_11 : memref<1x80xi32, #tpu.memory_space<vmem>> -> memref<80xi32, #tpu.memory_space<vmem>>
    %dma_start3A_13 = arith.constant 0 : i32
    %dma_start3A_14 = arith.constant 0 : i32
    %dma_start3A_15 = tpu.memref_slice %arg2[%dma_start3A_13, %dma_start3A_14] : memref<10000x64xf32, #tpu.memory_space<hbm>> -> memref<10000x64xf32, #tpu.memory_space<hbm>>
    tpu.enqueue_indirect_dma source(%dma_start3A_15 : memref<10000x64xf32, #tpu.memory_space<hbm>>) target(%arg13 : memref<80x64xf32, #tpu.memory_space<vmem>>) offsets(%dma_start3A_12 : memref<80xi32, #tpu.memory_space<vmem>>) semaphore(%arg15 : memref<!tpu.dma_semaphore, #tpu.memory_space<semaphore_mem>>)
    %scan3A = arith.constant 0 : i32
    %scan3A_16 = arith.constant 0 : i32
    %scan3A_17 = arith.constant 64 : i32
    %scan3A_18 = arith.addi %scan3A_16, %scan3A_17 : i32
    %scan3A_19 = arith.constant 1 : i32
    scf.for %scan3A_22 = %scan3A_16 to %scan3A_18 step %scan3A_19  : i32 {
      %mul3A_23 = arith.constant 2 : i32
      %mul3A_24 = arith.muli %mul3A_23, %scan3A_22 : i32
      %add3A_25 = arith.constant 0 : i32
      %add3A_26 = arith.addi %mul3A_24, %add3A_25 : i32
      %dma_wait3A = arith.constant 0 : i32
      %dma_wait3A_27 = tpu.memref_slice %arg11[%add3A_26, %dma_wait3A] : memref<128x80xi32, #tpu.memory_space<vmem>> -> memref<1x80xi32, #tpu.memory_space<vmem>>
      %dma_wait3A_28 = tpu.memref_squeeze %dma_wait3A_27 : memref<1x80xi32, #tpu.memory_space<vmem>> -> memref<80xi32, #tpu.memory_space<vmem>>
      %dma_wait3A_29 = arith.constant 0 : i32
      %dma_wait3A_30 = arith.constant 0 : i32
      %dma_wait3A_31 = tpu.memref_slice %arg2[%dma_wait3A_29, %dma_wait3A_30] : memref<10000x64xf32, #tpu.memory_space<hbm>> -> memref<10000x64xf32, #tpu.memory_space<hbm>>
      tpu.wait_indirect_dma semaphore(%arg14 : memref<!tpu.dma_semaphore, #tpu.memory_space<semaphore_mem>>) src(%dma_wait3A_31 : memref<10000x64xf32, #tpu.memory_space<hbm>>) dst(%arg12 : memref<80x64xf32, #tpu.memory_space<vmem>>)
      "tpu.region"() ({
        %run_scoped3A = tpu.sem_alloc : memref<!tpu.dma_semaphore, #tpu.memory_space<semaphore_mem>>
        %dma_start3A_53 = arith.constant 0 : i32
        %dma_start3A_54 = tpu.memref_slice %arg10[%add3A_26, %dma_start3A_53] : memref<128x80xi32, #tpu.memory_space<vmem>> -> memref<1x80xi32, #tpu.memory_space<vmem>>
        %dma_start3A_55 = tpu.memref_squeeze %dma_start3A_54 : memref<1x80xi32, #tpu.memory_space<vmem>> -> memref<80xi32, #tpu.memory_space<vmem>>
        %dma_start3A_56 = arith.constant 0 : i32
        %dma_start3A_57 = arith.constant 0 : i32
        %dma_start3A_58 = tpu.memref_slice %arg9[%dma_start3A_56, %dma_start3A_57] : memref<10240x64xf32, #tpu.memory_space<vmem_shared>> -> memref<10240x64xf32, #tpu.memory_space<vmem_shared>>
        tpu.enqueue_indirect_dma source(%arg12 : memref<80x64xf32, #tpu.memory_space<vmem>>) target(%dma_start3A_58 : memref<10240x64xf32, #tpu.memory_space<vmem_shared>>) offsets(%dma_start3A_55 : memref<80xi32, #tpu.memory_space<vmem>>) semaphore(%run_scoped3A : memref<!tpu.dma_semaphore, #tpu.memory_space<semaphore_mem>>) {add = true}
        %dma_wait3A_59 = arith.constant 0 : i32
        %dma_wait3A_60 = tpu.memref_slice %arg10[%add3A_26, %dma_wait3A_59] : memref<128x80xi32, #tpu.memory_space<vmem>> -> memref<1x80xi32, #tpu.memory_space<vmem>>
        %dma_wait3A_61 = tpu.memref_squeeze %dma_wait3A_60 : memref<1x80xi32, #tpu.memory_space<vmem>> -> memref<80xi32, #tpu.memory_space<vmem>>
        %dma_wait3A_62 = arith.constant 0 : i32
        %dma_wait3A_63 = arith.constant 0 : i32
        %dma_wait3A_64 = tpu.memref_slice %arg9[%dma_wait3A_62, %dma_wait3A_63] : memref<10240x64xf32, #tpu.memory_space<vmem_shared>> -> memref<10240x64xf32, #tpu.memory_space<vmem_shared>>
        tpu.wait_indirect_dma semaphore(%run_scoped3A : memref<!tpu.dma_semaphore, #tpu.memory_space<semaphore_mem>>) src(%arg12 : memref<80x64xf32, #tpu.memory_space<vmem>>) dst(%dma_wait3A_64 : memref<10240x64xf32, #tpu.memory_space<vmem_shared>>)
        tpu.yield
      }) : () -> ()
      %add3A_32 = arith.constant 2 : i32
      %add3A_33 = arith.addi %add3A_26, %add3A_32 : i32
      %lt3A = arith.constant 128 : i32
      %lt3A_34 = arith.cmpi slt, %add3A_33, %lt3A : i32
      %convert_element_type3A = arith.extui %lt3A_34 : i1 to i32
      %cond3A = arith.constant 0 : i32
      %cond3A_35 = arith.cmpi ne, %convert_element_type3A, %cond3A : i32
      scf.if %cond3A_35 {
        %add3A_53 = arith.constant 2 : i32
        %add3A_54 = arith.addi %add3A_26, %add3A_53 : i32
        %dma_start3A_55 = arith.constant 0 : i32
        %dma_start3A_56 = tpu.memref_slice %arg11[%add3A_54, %dma_start3A_55] : memref<128x80xi32, #tpu.memory_space<vmem>> -> memref<1x80xi32, #tpu.memory_space<vmem>>
        %dma_start3A_57 = tpu.memref_squeeze %dma_start3A_56 : memref<1x80xi32, #tpu.memory_space<vmem>> -> memref<80xi32, #tpu.memory_space<vmem>>
        %dma_start3A_58 = arith.constant 0 : i32
        %dma_start3A_59 = arith.constant 0 : i32
        %dma_start3A_60 = tpu.memref_slice %arg2[%dma_start3A_58, %dma_start3A_59] : memref<10000x64xf32, #tpu.memory_space<hbm>> -> memref<10000x64xf32, #tpu.memory_space<hbm>>
        tpu.enqueue_indirect_dma source(%dma_start3A_60 : memref<10000x64xf32, #tpu.memory_space<hbm>>) target(%arg12 : memref<80x64xf32, #tpu.memory_space<vmem>>) offsets(%dma_start3A_57 : memref<80xi32, #tpu.memory_space<vmem>>) semaphore(%arg14 : memref<!tpu.dma_semaphore, #tpu.memory_space<semaphore_mem>>)
      } else {
      }
      %mul3A_36 = arith.constant 2 : i32
      %mul3A_37 = arith.muli %mul3A_36, %scan3A_22 : i32
      %add3A_38 = arith.constant 1 : i32
      %add3A_39 = arith.addi %mul3A_37, %add3A_38 : i32
      %dma_wait3A_40 = arith.constant 0 : i32
      %dma_wait3A_41 = tpu.memref_slice %arg11[%add3A_39, %dma_wait3A_40] : memref<128x80xi32, #tpu.memory_space<vmem>> -> memref<1x80xi32, #tpu.memory_space<vmem>>
      %dma_wait3A_42 = tpu.memref_squeeze %dma_wait3A_41 : memref<1x80xi32, #tpu.memory_space<vmem>> -> memref<80xi32, #tpu.memory_space<vmem>>
      %dma_wait3A_43 = arith.constant 0 : i32
      %dma_wait3A_44 = arith.constant 0 : i32
      %dma_wait3A_45 = tpu.memref_slice %arg2[%dma_wait3A_43, %dma_wait3A_44] : memref<10000x64xf32, #tpu.memory_space<hbm>> -> memref<10000x64xf32, #tpu.memory_space<hbm>>
      tpu.wait_indirect_dma semaphore(%arg15 : memref<!tpu.dma_semaphore, #tpu.memory_space<semaphore_mem>>) src(%dma_wait3A_45 : memref<10000x64xf32, #tpu.memory_space<hbm>>) dst(%arg13 : memref<80x64xf32, #tpu.memory_space<vmem>>)
      "tpu.region"() ({
        %run_scoped3A = tpu.sem_alloc : memref<!tpu.dma_semaphore, #tpu.memory_space<semaphore_mem>>
        %dma_start3A_53 = arith.constant 0 : i32
        %dma_start3A_54 = tpu.memref_slice %arg10[%add3A_39, %dma_start3A_53] : memref<128x80xi32, #tpu.memory_space<vmem>> -> memref<1x80xi32, #tpu.memory_space<vmem>>
        %dma_start3A_55 = tpu.memref_squeeze %dma_start3A_54 : memref<1x80xi32, #tpu.memory_space<vmem>> -> memref<80xi32, #tpu.memory_space<vmem>>
        %dma_start3A_56 = arith.constant 0 : i32
        %dma_start3A_57 = arith.constant 0 : i32
        %dma_start3A_58 = tpu.memref_slice %arg9[%dma_start3A_56, %dma_start3A_57] : memref<10240x64xf32, #tpu.memory_space<vmem_shared>> -> memref<10240x64xf32, #tpu.memory_space<vmem_shared>>
        tpu.enqueue_indirect_dma source(%arg13 : memref<80x64xf32, #tpu.memory_space<vmem>>) target(%dma_start3A_58 : memref<10240x64xf32, #tpu.memory_space<vmem_shared>>) offsets(%dma_start3A_55 : memref<80xi32, #tpu.memory_space<vmem>>) semaphore(%run_scoped3A : memref<!tpu.dma_semaphore, #tpu.memory_space<semaphore_mem>>) {add = true}
        %dma_wait3A_59 = arith.constant 0 : i32
        %dma_wait3A_60 = tpu.memref_slice %arg10[%add3A_39, %dma_wait3A_59] : memref<128x80xi32, #tpu.memory_space<vmem>> -> memref<1x80xi32, #tpu.memory_space<vmem>>
        %dma_wait3A_61 = tpu.memref_squeeze %dma_wait3A_60 : memref<1x80xi32, #tpu.memory_space<vmem>> -> memref<80xi32, #tpu.memory_space<vmem>>
        %dma_wait3A_62 = arith.constant 0 : i32
        %dma_wait3A_63 = arith.constant 0 : i32
        %dma_wait3A_64 = tpu.memref_slice %arg9[%dma_wait3A_62, %dma_wait3A_63] : memref<10240x64xf32, #tpu.memory_space<vmem_shared>> -> memref<10240x64xf32, #tpu.memory_space<vmem_shared>>
        tpu.wait_indirect_dma semaphore(%run_scoped3A : memref<!tpu.dma_semaphore, #tpu.memory_space<semaphore_mem>>) src(%arg13 : memref<80x64xf32, #tpu.memory_space<vmem>>) dst(%dma_wait3A_64 : memref<10240x64xf32, #tpu.memory_space<vmem_shared>>)
        tpu.yield
      }) : () -> ()
      %add3A_46 = arith.constant 2 : i32
      %add3A_47 = arith.addi %add3A_39, %add3A_46 : i32
      %lt3A_48 = arith.constant 128 : i32
      %lt3A_49 = arith.cmpi slt, %add3A_47, %lt3A_48 : i32
      %convert_element_type3A_50 = arith.extui %lt3A_49 : i1 to i32
      %cond3A_51 = arith.constant 0 : i32
      %cond3A_52 = arith.cmpi ne, %convert_element_type3A_50, %cond3A_51 : i32
      scf.if %cond3A_52 {
        %add3A_53 = arith.constant 2 : i32
        %add3A_54 = arith.addi %add3A_39, %add3A_53 : i32
        %dma_start3A_55 = arith.constant 0 : i32
        %dma_start3A_56 = tpu.memref_slice %arg11[%add3A_54, %dma_start3A_55] : memref<128x80xi32, #tpu.memory_space<vmem>> -> memref<1x80xi32, #tpu.memory_space<vmem>>
        %dma_start3A_57 = tpu.memref_squeeze %dma_start3A_56 : memref<1x80xi32, #tpu.memory_space<vmem>> -> memref<80xi32, #tpu.memory_space<vmem>>
        %dma_start3A_58 = arith.constant 0 : i32
        %dma_start3A_59 = arith.constant 0 : i32
        %dma_start3A_60 = tpu.memref_slice %arg2[%dma_start3A_58, %dma_start3A_59] : memref<10000x64xf32, #tpu.memory_space<hbm>> -> memref<10000x64xf32, #tpu.memory_space<hbm>>
        tpu.enqueue_indirect_dma source(%dma_start3A_60 : memref<10000x64xf32, #tpu.memory_space<hbm>>) target(%arg13 : memref<80x64xf32, #tpu.memory_space<vmem>>) offsets(%dma_start3A_57 : memref<80xi32, #tpu.memory_space<vmem>>) semaphore(%arg15 : memref<!tpu.dma_semaphore, #tpu.memory_space<semaphore_mem>>)
      } else {
      }
    }
    %scan3A_20 = arith.constant 64 : i32
    %barrier3A_21 = arith.constant 0 : index
    tpu.barrier barrier_id(%barrier3A_21)
    "tpu.region"() ({
      %run_scoped3A = tpu.sem_alloc : memref<!tpu.dma_semaphore, #tpu.memory_space<semaphore_mem>>
      %dma_start3A_22 = arith.constant 0 : i32
      %dma_start3A_23 = tpu.memref_slice %arg8[%arg0, %mul3A_2, %dma_start3A_22] : memref<2x10240x64xf32, #tpu.memory_space<hbm>> -> memref<1x640x64xf32, #tpu.memory_space<hbm>>
      %dma_start3A_24 = tpu.memref_squeeze %dma_start3A_23 : memref<1x640x64xf32, #tpu.memory_space<hbm>> -> memref<640x64xf32, #tpu.memory_space<hbm>>
      %dma_start3A_25 = arith.constant 0 : i32
      %dma_start3A_26 = tpu.memref_slice %arg9[%mul3A_2, %dma_start3A_25] : memref<10240x64xf32, #tpu.memory_space<vmem_shared>> -> memref<640x64xf32, #tpu.memory_space<vmem_shared>>
      tpu.enqueue_dma source(%dma_start3A_26 : memref<640x64xf32, #tpu.memory_space<vmem_shared>>) target(%dma_start3A_24 : memref<640x64xf32, #tpu.memory_space<hbm>>) target_semaphore(%run_scoped3A : memref<!tpu.dma_semaphore, #tpu.memory_space<semaphore_mem>>)
      %dma_wait3A = arith.constant 0 : i32
      %dma_wait3A_27 = tpu.memref_slice %arg8[%arg0, %mul3A_2, %dma_wait3A] : memref<2x10240x64xf32, #tpu.memory_space<hbm>> -> memref<1x640x64xf32, #tpu.memory_space<hbm>>
      %dma_wait3A_28 = tpu.memref_squeeze %dma_wait3A_27 : memref<1x640x64xf32, #tpu.memory_space<hbm>> -> memref<640x64xf32, #tpu.memory_space<hbm>>
      %dma_wait3A_29 = arith.constant 0 : i32
      %dma_wait3A_30 = tpu.memref_slice %arg9[%mul3A_2, %dma_wait3A_29] : memref<10240x64xf32, #tpu.memory_space<vmem_shared>> -> memref<640x64xf32, #tpu.memory_space<vmem_shared>>
      tpu.wait_dma2 semaphore(%run_scoped3A : memref<!tpu.dma_semaphore, #tpu.memory_space<semaphore_mem>>) src(%dma_wait3A_30 : memref<640x64xf32, #tpu.memory_space<vmem_shared>>) dst(%dma_wait3A_28 : memref<640x64xf32, #tpu.memory_space<hbm>>)
      tpu.yield
    }) : () -> ()
    return
  }
}

#map = affine_map<(d0, d1) -> (0, 0)>
#map1 = affine_map<(d0, d1) -> (0, 0, 0)>
module attributes {stable_mosaic.version = 14 : i64} {
  func.func @body(%arg0: i32, %arg1: i32, %arg2: memref<10000x64xf32, #tpu.memory_space<hbm>>, %arg3: memref<32x128x80xi32, #tpu.memory_space<hbm>>, %arg4: memref<32x128x80xi32, #tpu.memory_space<hbm>>, %arg5: memref<10240x64xf32, #tpu.memory_space<hbm>>, %arg6: memref<10240x16xf32, #tpu.memory_space<hbm>>, %arg7: memref<80x16xf32, #tpu.memory_space<hbm>>, %arg8: memref<2x10240x64xf32, #tpu.memory_space<hbm>>, %arg9: memref<10240x64xf32, #tpu.memory_space<vmem_shared>>, %arg10: memref<128x80xi32, #tpu.memory_space<vmem>>, %arg11: memref<128x80xi32, #tpu.memory_space<vmem>>, %arg12: memref<80x64xf32, #tpu.memory_space<vmem>>, %arg13: memref<80x64xf32, #tpu.memory_space<vmem>>, %arg14: memref<!tpu.dma_semaphore, #tpu.memory_space<semaphore_mem>>, %arg15: memref<!tpu.dma_semaphore, #tpu.memory_space<semaphore_mem>>) attributes {dimension_semantics = [#tpu.dimension_semantics<core_parallel>, #tpu.dimension_semantics<subcore_parallel>], iteration_bounds = array<i64: 2, 16>, scalar_prefetch = 0 : i64, scratch_operands = 7 : i64, tpu.core_type = #tpu.core_type<sc_vector_subcore>, window_params = [{transform_indices = #map}, {transform_indices = #map1}, {transform_indices = #map1}, {transform_indices = #map}, {transform_indices = #map}, {transform_indices = #map}, {transform_indices = #map1}]} {
    %mul3A = arith.constant 2 : i32
    %mul3A_0 = arith.muli %arg1, %mul3A : i32
    %add3A = arith.addi %mul3A_0, %arg0 : i32
    %mul3A_1 = arith.constant 640 : i32
    %mul3A_2 = arith.muli %arg1, %mul3A_1 : i32
    "tpu.region"() ({
      %run_scoped3A = tpu.sem_alloc : memref<!tpu.dma_semaphore, #tpu.memory_space<semaphore_mem>>
      %dma_start3A_22 = arith.constant 0 : i32
      %dma_start3A_23 = tpu.memref_slice %arg9[%mul3A_2, %dma_start3A_22] : memref<10240x64xf32, #tpu.memory_space<vmem_shared>> -> memref<640x64xf32, #tpu.memory_space<vmem_shared>>
      %dma_start3A_24 = arith.constant 0 : i32
      %dma_start3A_25 = tpu.memref_slice %arg5[%mul3A_2, %dma_start3A_24] : memref<10240x64xf32, #tpu.memory_space<hbm>> -> memref<640x64xf32, #tpu.memory_space<hbm>>
      tpu.enqueue_dma source(%dma_start3A_25 : memref<640x64xf32, #tpu.memory_space<hbm>>) target(%dma_start3A_23 : memref<640x64xf32, #tpu.memory_space<vmem_shared>>) target_semaphore(%run_scoped3A : memref<!tpu.dma_semaphore, #tpu.memory_space<semaphore_mem>>)
      %dma_wait3A = arith.constant 0 : i32
      %dma_wait3A_26 = tpu.memref_slice %arg9[%mul3A_2, %dma_wait3A] : memref<10240x64xf32, #tpu.memory_space<vmem_shared>> -> memref<640x64xf32, #tpu.memory_space<vmem_shared>>
      %dma_wait3A_27 = arith.constant 0 : i32
      %dma_wait3A_28 = tpu.memref_slice %arg5[%mul3A_2, %dma_wait3A_27] : memref<10240x64xf32, #tpu.memory_space<hbm>> -> memref<640x64xf32, #tpu.memory_space<hbm>>
      tpu.wait_dma2 semaphore(%run_scoped3A : memref<!tpu.dma_semaphore, #tpu.memory_space<semaphore_mem>>) src(%dma_wait3A_28 : memref<640x64xf32, #tpu.memory_space<hbm>>) dst(%dma_wait3A_26 : memref<640x64xf32, #tpu.memory_space<vmem_shared>>)
      tpu.yield
    }) : () -> ()
    "tpu.region"() ({
      %run_scoped3A = tpu.sem_alloc : memref<!tpu.dma_semaphore, #tpu.memory_space<semaphore_mem>>
      %dma_start3A_22 = arith.constant 0 : i32
      %dma_start3A_23 = arith.constant 0 : i32
      %dma_start3A_24 = tpu.memref_slice %arg3[%add3A, %dma_start3A_22, %dma_start3A_23] : memref<32x128x80xi32, #tpu.memory_space<hbm>> -> memref<1x128x80xi32, #tpu.memory_space<hbm>>
      %dma_start3A_25 = tpu.memref_squeeze %dma_start3A_24 : memref<1x128x80xi32, #tpu.memory_space<hbm>> -> memref<128x80xi32, #tpu.memory_space<hbm>>
      %dma_start3A_26 = arith.constant 0 : i32
      %dma_start3A_27 = arith.constant 0 : i32
      %dma_start3A_28 = tpu.memref_slice %arg3[%add3A, %dma_start3A_26, %dma_start3A_27] : memref<32x128x80xi32, #tpu.memory_space<hbm>> -> memref<1x128x80xi32, #tpu.memory_space<hbm>>
      %dma_start3A_29 = tpu.memref_squeeze %dma_start3A_28 : memref<1x128x80xi32, #tpu.memory_space<hbm>> -> memref<128x80xi32, #tpu.memory_space<hbm>>
      tpu.enqueue_dma source(%dma_start3A_29 : memref<128x80xi32, #tpu.memory_space<hbm>>) target(%arg10 : memref<128x80xi32, #tpu.memory_space<vmem>>) target_semaphore(%run_scoped3A : memref<!tpu.dma_semaphore, #tpu.memory_space<semaphore_mem>>)
      %dma_wait3A = arith.constant 0 : i32
      %dma_wait3A_30 = arith.constant 0 : i32
      %dma_wait3A_31 = tpu.memref_slice %arg3[%add3A, %dma_wait3A, %dma_wait3A_30] : memref<32x128x80xi32, #tpu.memory_space<hbm>> -> memref<1x128x80xi32, #tpu.memory_space<hbm>>
      %dma_wait3A_32 = tpu.memref_squeeze %dma_wait3A_31 : memref<1x128x80xi32, #tpu.memory_space<hbm>> -> memref<128x80xi32, #tpu.memory_space<hbm>>
      %dma_wait3A_33 = arith.constant 0 : i32
      %dma_wait3A_34 = arith.constant 0 : i32
      %dma_wait3A_35 = tpu.memref_slice %arg3[%add3A, %dma_wait3A_33, %dma_wait3A_34] : memref<32x128x80xi32, #tpu.memory_space<hbm>> -> memref<1x128x80xi32, #tpu.memory_space<hbm>>
      %dma_wait3A_36 = tpu.memref_squeeze %dma_wait3A_35 : memref<1x128x80xi32, #tpu.memory_space<hbm>> -> memref<128x80xi32, #tpu.memory_space<hbm>>
      tpu.wait_dma2 semaphore(%run_scoped3A : memref<!tpu.dma_semaphore, #tpu.memory_space<semaphore_mem>>) src(%dma_wait3A_36 : memref<128x80xi32, #tpu.memory_space<hbm>>) dst(%arg10 : memref<128x80xi32, #tpu.memory_space<vmem>>)
      tpu.yield
    }) : () -> ()
    "tpu.region"() ({
      %run_scoped3A = tpu.sem_alloc : memref<!tpu.dma_semaphore, #tpu.memory_space<semaphore_mem>>
      %dma_start3A_22 = arith.constant 0 : i32
      %dma_start3A_23 = arith.constant 0 : i32
      %dma_start3A_24 = tpu.memref_slice %arg4[%add3A, %dma_start3A_22, %dma_start3A_23] : memref<32x128x80xi32, #tpu.memory_space<hbm>> -> memref<1x128x80xi32, #tpu.memory_space<hbm>>
      %dma_start3A_25 = tpu.memref_squeeze %dma_start3A_24 : memref<1x128x80xi32, #tpu.memory_space<hbm>> -> memref<128x80xi32, #tpu.memory_space<hbm>>
      %dma_start3A_26 = arith.constant 0 : i32
      %dma_start3A_27 = arith.constant 0 : i32
      %dma_start3A_28 = tpu.memref_slice %arg4[%add3A, %dma_start3A_26, %dma_start3A_27] : memref<32x128x80xi32, #tpu.memory_space<hbm>> -> memref<1x128x80xi32, #tpu.memory_space<hbm>>
      %dma_start3A_29 = tpu.memref_squeeze %dma_start3A_28 : memref<1x128x80xi32, #tpu.memory_space<hbm>> -> memref<128x80xi32, #tpu.memory_space<hbm>>
      tpu.enqueue_dma source(%dma_start3A_29 : memref<128x80xi32, #tpu.memory_space<hbm>>) target(%arg11 : memref<128x80xi32, #tpu.memory_space<vmem>>) target_semaphore(%run_scoped3A : memref<!tpu.dma_semaphore, #tpu.memory_space<semaphore_mem>>)
      %dma_wait3A = arith.constant 0 : i32
      %dma_wait3A_30 = arith.constant 0 : i32
      %dma_wait3A_31 = tpu.memref_slice %arg4[%add3A, %dma_wait3A, %dma_wait3A_30] : memref<32x128x80xi32, #tpu.memory_space<hbm>> -> memref<1x128x80xi32, #tpu.memory_space<hbm>>
      %dma_wait3A_32 = tpu.memref_squeeze %dma_wait3A_31 : memref<1x128x80xi32, #tpu.memory_space<hbm>> -> memref<128x80xi32, #tpu.memory_space<hbm>>
      %dma_wait3A_33 = arith.constant 0 : i32
      %dma_wait3A_34 = arith.constant 0 : i32
      %dma_wait3A_35 = tpu.memref_slice %arg4[%add3A, %dma_wait3A_33, %dma_wait3A_34] : memref<32x128x80xi32, #tpu.memory_space<hbm>> -> memref<1x128x80xi32, #tpu.memory_space<hbm>>
      %dma_wait3A_36 = tpu.memref_squeeze %dma_wait3A_35 : memref<1x128x80xi32, #tpu.memory_space<hbm>> -> memref<128x80xi32, #tpu.memory_space<hbm>>
      tpu.wait_dma2 semaphore(%run_scoped3A : memref<!tpu.dma_semaphore, #tpu.memory_space<semaphore_mem>>) src(%dma_wait3A_36 : memref<128x80xi32, #tpu.memory_space<hbm>>) dst(%arg11 : memref<128x80xi32, #tpu.memory_space<vmem>>)
      tpu.yield
    }) : () -> ()
    %barrier3A = arith.constant 0 : index
    tpu.barrier barrier_id(%barrier3A)
    %dma_start3A = arith.constant 0 : i32
    %dma_start3A_3 = arith.constant 0 : i32
    %dma_start3A_4 = tpu.memref_slice %arg11[%dma_start3A, %dma_start3A_3] : memref<128x80xi32, #tpu.memory_space<vmem>> -> memref<1x80xi32, #tpu.memory_space<vmem>>
    %dma_start3A_5 = tpu.memref_squeeze %dma_start3A_4 : memref<1x80xi32, #tpu.memory_space<vmem>> -> memref<80xi32, #tpu.memory_space<vmem>>
    %dma_start3A_6 = arith.constant 0 : i32
    %dma_start3A_7 = arith.constant 0 : i32
    %dma_start3A_8 = tpu.memref_slice %arg2[%dma_start3A_6, %dma_start3A_7] : memref<10000x64xf32, #tpu.memory_space<hbm>> -> memref<10000x64xf32, #tpu.memory_space<hbm>>
    tpu.enqueue_indirect_dma source(%dma_start3A_8 : memref<10000x64xf32, #tpu.memory_space<hbm>>) target(%arg12 : memref<80x64xf32, #tpu.memory_space<vmem>>) offsets(%dma_start3A_5 : memref<80xi32, #tpu.memory_space<vmem>>) semaphore(%arg14 : memref<!tpu.dma_semaphore, #tpu.memory_space<semaphore_mem>>)
    %dma_start3A_9 = arith.constant 1 : i32
    %dma_start3A_10 = arith.constant 0 : i32
    %dma_start3A_11 = tpu.memref_slice %arg11[%dma_start3A_9, %dma_start3A_10] : memref<128x80xi32, #tpu.memory_space<vmem>> -> memref<1x80xi32, #tpu.memory_space<vmem>>
    %dma_start3A_12 = tpu.memref_squeeze %dma_start3A_11 : memref<1x80xi32, #tpu.memory_space<vmem>> -> memref<80xi32, #tpu.memory_space<vmem>>
    %dma_start3A_13 = arith.constant 0 : i32
    %dma_start3A_14 = arith.constant 0 : i32
    %dma_start3A_15 = tpu.memref_slice %arg2[%dma_start3A_13, %dma_start3A_14] : memref<10000x64xf32, #tpu.memory_space<hbm>> -> memref<10000x64xf32, #tpu.memory_space<hbm>>
    tpu.enqueue_indirect_dma source(%dma_start3A_15 : memref<10000x64xf32, #tpu.memory_space<hbm>>) target(%arg13 : memref<80x64xf32, #tpu.memory_space<vmem>>) offsets(%dma_start3A_12 : memref<80xi32, #tpu.memory_space<vmem>>) semaphore(%arg15 : memref<!tpu.dma_semaphore, #tpu.memory_space<semaphore_mem>>)
    %scan3A = arith.constant 0 : i32
    %scan3A_16 = arith.constant 0 : i32
    %scan3A_17 = arith.constant 64 : i32
    %scan3A_18 = arith.addi %scan3A_16, %scan3A_17 : i32
    %scan3A_19 = arith.constant 1 : i32
    scf.for %scan3A_22 = %scan3A_16 to %scan3A_18 step %scan3A_19  : i32 {
      %mul3A_23 = arith.constant 2 : i32
      %mul3A_24 = arith.muli %mul3A_23, %scan3A_22 : i32
      %add3A_25 = arith.constant 0 : i32
      %add3A_26 = arith.addi %mul3A_24, %add3A_25 : i32
      %dma_wait3A = arith.constant 0 : i32
      %dma_wait3A_27 = tpu.memref_slice %arg11[%add3A_26, %dma_wait3A] : memref<128x80xi32, #tpu.memory_space<vmem>> -> memref<1x80xi32, #tpu.memory_space<vmem>>
      %dma_wait3A_28 = tpu.memref_squeeze %dma_wait3A_27 : memref<1x80xi32, #tpu.memory_space<vmem>> -> memref<80xi32, #tpu.memory_space<vmem>>
      %dma_wait3A_29 = arith.constant 0 : i32
      %dma_wait3A_30 = arith.constant 0 : i32
      %dma_wait3A_31 = tpu.memref_slice %arg2[%dma_wait3A_29, %dma_wait3A_30] : memref<10000x64xf32, #tpu.memory_space<hbm>> -> memref<10000x64xf32, #tpu.memory_space<hbm>>
      tpu.wait_indirect_dma semaphore(%arg14 : memref<!tpu.dma_semaphore, #tpu.memory_space<semaphore_mem>>) src(%dma_wait3A_31 : memref<10000x64xf32, #tpu.memory_space<hbm>>) dst(%arg12 : memref<80x64xf32, #tpu.memory_space<vmem>>)
      "tpu.region"() ({
        %run_scoped3A = tpu.sem_alloc : memref<!tpu.dma_semaphore, #tpu.memory_space<semaphore_mem>>
        %dma_start3A_53 = arith.constant 0 : i32
        %dma_start3A_54 = tpu.memref_slice %arg10[%add3A_26, %dma_start3A_53] : memref<128x80xi32, #tpu.memory_space<vmem>> -> memref<1x80xi32, #tpu.memory_space<vmem>>
        %dma_start3A_55 = tpu.memref_squeeze %dma_start3A_54 : memref<1x80xi32, #tpu.memory_space<vmem>> -> memref<80xi32, #tpu.memory_space<vmem>>
        %dma_start3A_56 = arith.constant 0 : i32
        %dma_start3A_57 = arith.constant 0 : i32
        %dma_start3A_58 = tpu.memref_slice %arg9[%dma_start3A_56, %dma_start3A_57] : memref<10240x64xf32, #tpu.memory_space<vmem_shared>> -> memref<10240x64xf32, #tpu.memory_space<vmem_shared>>
        tpu.enqueue_indirect_dma source(%arg12 : memref<80x64xf32, #tpu.memory_space<vmem>>) target(%dma_start3A_58 : memref<10240x64xf32, #tpu.memory_space<vmem_shared>>) offsets(%dma_start3A_55 : memref<80xi32, #tpu.memory_space<vmem>>) semaphore(%run_scoped3A : memref<!tpu.dma_semaphore, #tpu.memory_space<semaphore_mem>>) {add = true}
        %dma_wait3A_59 = arith.constant 0 : i32
        %dma_wait3A_60 = tpu.memref_slice %arg10[%add3A_26, %dma_wait3A_59] : memref<128x80xi32, #tpu.memory_space<vmem>> -> memref<1x80xi32, #tpu.memory_space<vmem>>
        %dma_wait3A_61 = tpu.memref_squeeze %dma_wait3A_60 : memref<1x80xi32, #tpu.memory_space<vmem>> -> memref<80xi32, #tpu.memory_space<vmem>>
        %dma_wait3A_62 = arith.constant 0 : i32
        %dma_wait3A_63 = arith.constant 0 : i32
        %dma_wait3A_64 = tpu.memref_slice %arg9[%dma_wait3A_62, %dma_wait3A_63] : memref<10240x64xf32, #tpu.memory_space<vmem_shared>> -> memref<10240x64xf32, #tpu.memory_space<vmem_shared>>
        tpu.wait_indirect_dma semaphore(%run_scoped3A : memref<!tpu.dma_semaphore, #tpu.memory_space<semaphore_mem>>) src(%arg12 : memref<80x64xf32, #tpu.memory_space<vmem>>) dst(%dma_wait3A_64 : memref<10240x64xf32, #tpu.memory_space<vmem_shared>>)
        tpu.yield
      }) : () -> ()
      %add3A_32 = arith.constant 2 : i32
      %add3A_33 = arith.addi %add3A_26, %add3A_32 : i32
      %lt3A = arith.constant 128 : i32
      %lt3A_34 = arith.cmpi slt, %add3A_33, %lt3A : i32
      %convert_element_type3A = arith.extui %lt3A_34 : i1 to i32
      %cond3A = arith.constant 0 : i32
      %cond3A_35 = arith.cmpi ne, %convert_element_type3A, %cond3A : i32
      scf.if %cond3A_35 {
        %add3A_53 = arith.constant 2 : i32
        %add3A_54 = arith.addi %add3A_26, %add3A_53 : i32
        %dma_start3A_55 = arith.constant 0 : i32
        %dma_start3A_56 = tpu.memref_slice %arg11[%add3A_54, %dma_start3A_55] : memref<128x80xi32, #tpu.memory_space<vmem>> -> memref<1x80xi32, #tpu.memory_space<vmem>>
        %dma_start3A_57 = tpu.memref_squeeze %dma_start3A_56 : memref<1x80xi32, #tpu.memory_space<vmem>> -> memref<80xi32, #tpu.memory_space<vmem>>
        %dma_start3A_58 = arith.constant 0 : i32
        %dma_start3A_59 = arith.constant 0 : i32
        %dma_start3A_60 = tpu.memref_slice %arg2[%dma_start3A_58, %dma_start3A_59] : memref<10000x64xf32, #tpu.memory_space<hbm>> -> memref<10000x64xf32, #tpu.memory_space<hbm>>
        tpu.enqueue_indirect_dma source(%dma_start3A_60 : memref<10000x64xf32, #tpu.memory_space<hbm>>) target(%arg12 : memref<80x64xf32, #tpu.memory_space<vmem>>) offsets(%dma_start3A_57 : memref<80xi32, #tpu.memory_space<vmem>>) semaphore(%arg14 : memref<!tpu.dma_semaphore, #tpu.memory_space<semaphore_mem>>)
      } else {
      }
      %mul3A_36 = arith.constant 2 : i32
      %mul3A_37 = arith.muli %mul3A_36, %scan3A_22 : i32
      %add3A_38 = arith.constant 1 : i32
      %add3A_39 = arith.addi %mul3A_37, %add3A_38 : i32
      %dma_wait3A_40 = arith.constant 0 : i32
      %dma_wait3A_41 = tpu.memref_slice %arg11[%add3A_39, %dma_wait3A_40] : memref<128x80xi32, #tpu.memory_space<vmem>> -> memref<1x80xi32, #tpu.memory_space<vmem>>
      %dma_wait3A_42 = tpu.memref_squeeze %dma_wait3A_41 : memref<1x80xi32, #tpu.memory_space<vmem>> -> memref<80xi32, #tpu.memory_space<vmem>>
      %dma_wait3A_43 = arith.constant 0 : i32
      %dma_wait3A_44 = arith.constant 0 : i32
      %dma_wait3A_45 = tpu.memref_slice %arg2[%dma_wait3A_43, %dma_wait3A_44] : memref<10000x64xf32, #tpu.memory_space<hbm>> -> memref<10000x64xf32, #tpu.memory_space<hbm>>
      tpu.wait_indirect_dma semaphore(%arg15 : memref<!tpu.dma_semaphore, #tpu.memory_space<semaphore_mem>>) src(%dma_wait3A_45 : memref<10000x64xf32, #tpu.memory_space<hbm>>) dst(%arg13 : memref<80x64xf32, #tpu.memory_space<vmem>>)
      "tpu.region"() ({
        %run_scoped3A = tpu.sem_alloc : memref<!tpu.dma_semaphore, #tpu.memory_space<semaphore_mem>>
        %dma_start3A_53 = arith.constant 0 : i32
        %dma_start3A_54 = tpu.memref_slice %arg10[%add3A_39, %dma_start3A_53] : memref<128x80xi32, #tpu.memory_space<vmem>> -> memref<1x80xi32, #tpu.memory_space<vmem>>
        %dma_start3A_55 = tpu.memref_squeeze %dma_start3A_54 : memref<1x80xi32, #tpu.memory_space<vmem>> -> memref<80xi32, #tpu.memory_space<vmem>>
        %dma_start3A_56 = arith.constant 0 : i32
        %dma_start3A_57 = arith.constant 0 : i32
        %dma_start3A_58 = tpu.memref_slice %arg9[%dma_start3A_56, %dma_start3A_57] : memref<10240x64xf32, #tpu.memory_space<vmem_shared>> -> memref<10240x64xf32, #tpu.memory_space<vmem_shared>>
        tpu.enqueue_indirect_dma source(%arg13 : memref<80x64xf32, #tpu.memory_space<vmem>>) target(%dma_start3A_58 : memref<10240x64xf32, #tpu.memory_space<vmem_shared>>) offsets(%dma_start3A_55 : memref<80xi32, #tpu.memory_space<vmem>>) semaphore(%run_scoped3A : memref<!tpu.dma_semaphore, #tpu.memory_space<semaphore_mem>>) {add = true}
        %dma_wait3A_59 = arith.constant 0 : i32
        %dma_wait3A_60 = tpu.memref_slice %arg10[%add3A_39, %dma_wait3A_59] : memref<128x80xi32, #tpu.memory_space<vmem>> -> memref<1x80xi32, #tpu.memory_space<vmem>>
        %dma_wait3A_61 = tpu.memref_squeeze %dma_wait3A_60 : memref<1x80xi32, #tpu.memory_space<vmem>> -> memref<80xi32, #tpu.memory_space<vmem>>
        %dma_wait3A_62 = arith.constant 0 : i32
        %dma_wait3A_63 = arith.constant 0 : i32
        %dma_wait3A_64 = tpu.memref_slice %arg9[%dma_wait3A_62, %dma_wait3A_63] : memref<10240x64xf32, #tpu.memory_space<vmem_shared>> -> memref<10240x64xf32, #tpu.memory_space<vmem_shared>>
        tpu.wait_indirect_dma semaphore(%run_scoped3A : memref<!tpu.dma_semaphore, #tpu.memory_space<semaphore_mem>>) src(%arg13 : memref<80x64xf32, #tpu.memory_space<vmem>>) dst(%dma_wait3A_64 : memref<10240x64xf32, #tpu.memory_space<vmem_shared>>)
        tpu.yield
      }) : () -> ()
      %add3A_46 = arith.constant 2 : i32
      %add3A_47 = arith.addi %add3A_39, %add3A_46 : i32
      %lt3A_48 = arith.constant 128 : i32
      %lt3A_49 = arith.cmpi slt, %add3A_47, %lt3A_48 : i32
      %convert_element_type3A_50 = arith.extui %lt3A_49 : i1 to i32
      %cond3A_51 = arith.constant 0 : i32
      %cond3A_52 = arith.cmpi ne, %convert_element_type3A_50, %cond3A_51 : i32
      scf.if %cond3A_52 {
        %add3A_53 = arith.constant 2 : i32
        %add3A_54 = arith.addi %add3A_39, %add3A_53 : i32
        %dma_start3A_55 = arith.constant 0 : i32
        %dma_start3A_56 = tpu.memref_slice %arg11[%add3A_54, %dma_start3A_55] : memref<128x80xi32, #tpu.memory_space<vmem>> -> memref<1x80xi32, #tpu.memory_space<vmem>>
        %dma_start3A_57 = tpu.memref_squeeze %dma_start3A_56 : memref<1x80xi32, #tpu.memory_space<vmem>> -> memref<80xi32, #tpu.memory_space<vmem>>
        %dma_start3A_58 = arith.constant 0 : i32
        %dma_start3A_59 = arith.constant 0 : i32
        %dma_start3A_60 = tpu.memref_slice %arg2[%dma_start3A_58, %dma_start3A_59] : memref<10000x64xf32, #tpu.memory_space<hbm>> -> memref<10000x64xf32, #tpu.memory_space<hbm>>
        tpu.enqueue_indirect_dma source(%dma_start3A_60 : memref<10000x64xf32, #tpu.memory_space<hbm>>) target(%arg13 : memref<80x64xf32, #tpu.memory_space<vmem>>) offsets(%dma_start3A_57 : memref<80xi32, #tpu.memory_space<vmem>>) semaphore(%arg15 : memref<!tpu.dma_semaphore, #tpu.memory_space<semaphore_mem>>)
      } else {
      }
    }
    %scan3A_20 = arith.constant 64 : i32
    %barrier3A_21 = arith.constant 0 : index
    tpu.barrier barrier_id(%barrier3A_21)
    "tpu.region"() ({
      %run_scoped3A = tpu.sem_alloc : memref<!tpu.dma_semaphore, #tpu.memory_space<semaphore_mem>>
      %dma_start3A_22 = arith.constant 0 : i32
      %dma_start3A_23 = tpu.memref_slice %arg8[%arg0, %mul3A_2, %dma_start3A_22] : memref<2x10240x64xf32, #tpu.memory_space<hbm>> -> memref<1x640x64xf32, #tpu.memory_space<hbm>>
      %dma_start3A_24 = tpu.memref_squeeze %dma_start3A_23 : memref<1x640x64xf32, #tpu.memory_space<hbm>> -> memref<640x64xf32, #tpu.memory_space<hbm>>
      %dma_start3A_25 = arith.constant 0 : i32
      %dma_start3A_26 = tpu.memref_slice %arg9[%mul3A_2, %dma_start3A_25] : memref<10240x64xf32, #tpu.memory_space<vmem_shared>> -> memref<640x64xf32, #tpu.memory_space<vmem_shared>>
      tpu.enqueue_dma source(%dma_start3A_26 : memref<640x64xf32, #tpu.memory_space<vmem_shared>>) target(%dma_start3A_24 : memref<640x64xf32, #tpu.memory_space<hbm>>) target_semaphore(%run_scoped3A : memref<!tpu.dma_semaphore, #tpu.memory_space<semaphore_mem>>)
      %dma_wait3A = arith.constant 0 : i32
      %dma_wait3A_27 = tpu.memref_slice %arg8[%arg0, %mul3A_2, %dma_wait3A] : memref<2x10240x64xf32, #tpu.memory_space<hbm>> -> memref<1x640x64xf32, #tpu.memory_space<hbm>>
      %dma_wait3A_28 = tpu.memref_squeeze %dma_wait3A_27 : memref<1x640x64xf32, #tpu.memory_space<hbm>> -> memref<640x64xf32, #tpu.memory_space<hbm>>
      %dma_wait3A_29 = arith.constant 0 : i32
      %dma_wait3A_30 = tpu.memref_slice %arg9[%mul3A_2, %dma_wait3A_29] : memref<10240x64xf32, #tpu.memory_space<vmem_shared>> -> memref<640x64xf32, #tpu.memory_space<vmem_shared>>
      tpu.wait_dma2 semaphore(%run_scoped3A : memref<!tpu.dma_semaphore, #tpu.memory_space<semaphore_mem>>) src(%dma_wait3A_30 : memref<640x64xf32, #tpu.memory_space<vmem_shared>>) dst(%dma_wait3A_28 : memref<640x64xf32, #tpu.memory_space<hbm>>)
      tpu.yield
    }) : () -> ()
    return
  }
}

#map = affine_map<(d0, d1) -> (0, 0)>
#map1 = affine_map<(d0, d1) -> (0, 0, 0)>
module attributes {stable_mosaic.version = 14 : i64} {
  func.func @body(%arg0: i32, %arg1: i32, %arg2: memref<10000x64xf32, #tpu.memory_space<hbm>>, %arg3: memref<32x128x80xi32, #tpu.memory_space<hbm>>, %arg4: memref<32x128x80xi32, #tpu.memory_space<hbm>>, %arg5: memref<10240x64xf32, #tpu.memory_space<hbm>>, %arg6: memref<10240x16xf32, #tpu.memory_space<hbm>>, %arg7: memref<80x16xf32, #tpu.memory_space<hbm>>, %arg8: memref<2x10240x64xf32, #tpu.memory_space<hbm>>, %arg9: memref<2x10240x16xf32, #tpu.memory_space<hbm>>, %arg10: memref<10240x64xf32, #tpu.memory_space<vmem_shared>>, %arg11: memref<128x80xi32, #tpu.memory_space<vmem>>, %arg12: memref<128x80xi32, #tpu.memory_space<vmem>>, %arg13: memref<80x64xf32, #tpu.memory_space<vmem>>, %arg14: memref<80x64xf32, #tpu.memory_space<vmem>>, %arg15: memref<!tpu.dma_semaphore, #tpu.memory_space<semaphore_mem>>, %arg16: memref<!tpu.dma_semaphore, #tpu.memory_space<semaphore_mem>>, %arg17: memref<10240x16xf32, #tpu.memory_space<vmem_shared>>, %arg18: memref<80x16xf32, #tpu.memory_space<vmem>>) attributes {dimension_semantics = [#tpu.dimension_semantics<core_parallel>, #tpu.dimension_semantics<subcore_parallel>], iteration_bounds = array<i64: 2, 16>, scalar_prefetch = 0 : i64, scratch_operands = 9 : i64, tpu.core_type = #tpu.core_type<sc_vector_subcore>, window_params = [{transform_indices = #map}, {transform_indices = #map1}, {transform_indices = #map1}, {transform_indices = #map}, {transform_indices = #map}, {transform_indices = #map}, {transform_indices = #map1}, {transform_indices = #map1}]} {
    %mul3A = arith.constant 2 : i32
    %mul3A_0 = arith.muli %arg1, %mul3A : i32
    %add3A = arith.addi %mul3A_0, %arg0 : i32
    %mul3A_1 = arith.constant 640 : i32
    %mul3A_2 = arith.muli %arg1, %mul3A_1 : i32
    "tpu.region"() ({
      %run_scoped3A = tpu.sem_alloc : memref<!tpu.dma_semaphore, #tpu.memory_space<semaphore_mem>>
      %dma_start3A_22 = arith.constant 0 : i32
      %dma_start3A_23 = tpu.memref_slice %arg10[%mul3A_2, %dma_start3A_22] : memref<10240x64xf32, #tpu.memory_space<vmem_shared>> -> memref<640x64xf32, #tpu.memory_space<vmem_shared>>
      %dma_start3A_24 = arith.constant 0 : i32
      %dma_start3A_25 = tpu.memref_slice %arg5[%mul3A_2, %dma_start3A_24] : memref<10240x64xf32, #tpu.memory_space<hbm>> -> memref<640x64xf32, #tpu.memory_space<hbm>>
      tpu.enqueue_dma source(%dma_start3A_25 : memref<640x64xf32, #tpu.memory_space<hbm>>) target(%dma_start3A_23 : memref<640x64xf32, #tpu.memory_space<vmem_shared>>) target_semaphore(%run_scoped3A : memref<!tpu.dma_semaphore, #tpu.memory_space<semaphore_mem>>)
      %dma_wait3A = arith.constant 0 : i32
      %dma_wait3A_26 = tpu.memref_slice %arg10[%mul3A_2, %dma_wait3A] : memref<10240x64xf32, #tpu.memory_space<vmem_shared>> -> memref<640x64xf32, #tpu.memory_space<vmem_shared>>
      %dma_wait3A_27 = arith.constant 0 : i32
      %dma_wait3A_28 = tpu.memref_slice %arg5[%mul3A_2, %dma_wait3A_27] : memref<10240x64xf32, #tpu.memory_space<hbm>> -> memref<640x64xf32, #tpu.memory_space<hbm>>
      tpu.wait_dma2 semaphore(%run_scoped3A : memref<!tpu.dma_semaphore, #tpu.memory_space<semaphore_mem>>) src(%dma_wait3A_28 : memref<640x64xf32, #tpu.memory_space<hbm>>) dst(%dma_wait3A_26 : memref<640x64xf32, #tpu.memory_space<vmem_shared>>)
      tpu.yield
    }) : () -> ()
    "tpu.region"() ({
      %run_scoped3A = tpu.sem_alloc : memref<!tpu.dma_semaphore, #tpu.memory_space<semaphore_mem>>
      %dma_start3A_22 = arith.constant 0 : i32
      %dma_start3A_23 = tpu.memref_slice %arg17[%mul3A_2, %dma_start3A_22] : memref<10240x16xf32, #tpu.memory_space<vmem_shared>> -> memref<640x16xf32, #tpu.memory_space<vmem_shared>>
      %dma_start3A_24 = arith.constant 0 : i32
      %dma_start3A_25 = tpu.memref_slice %arg6[%mul3A_2, %dma_start3A_24] : memref<10240x16xf32, #tpu.memory_space<hbm>> -> memref<640x16xf32, #tpu.memory_space<hbm>>
      tpu.enqueue_dma source(%dma_start3A_25 : memref<640x16xf32, #tpu.memory_space<hbm>>) target(%dma_start3A_23 : memref<640x16xf32, #tpu.memory_space<vmem_shared>>) target_semaphore(%run_scoped3A : memref<!tpu.dma_semaphore, #tpu.memory_space<semaphore_mem>>)
      %dma_wait3A = arith.constant 0 : i32
      %dma_wait3A_26 = tpu.memref_slice %arg17[%mul3A_2, %dma_wait3A] : memref<10240x16xf32, #tpu.memory_space<vmem_shared>> -> memref<640x16xf32, #tpu.memory_space<vmem_shared>>
      %dma_wait3A_27 = arith.constant 0 : i32
      %dma_wait3A_28 = tpu.memref_slice %arg6[%mul3A_2, %dma_wait3A_27] : memref<10240x16xf32, #tpu.memory_space<hbm>> -> memref<640x16xf32, #tpu.memory_space<hbm>>
      tpu.wait_dma2 semaphore(%run_scoped3A : memref<!tpu.dma_semaphore, #tpu.memory_space<semaphore_mem>>) src(%dma_wait3A_28 : memref<640x16xf32, #tpu.memory_space<hbm>>) dst(%dma_wait3A_26 : memref<640x16xf32, #tpu.memory_space<vmem_shared>>)
      tpu.yield
    }) : () -> ()
    "tpu.region"() ({
      %run_scoped3A = tpu.sem_alloc : memref<!tpu.dma_semaphore, #tpu.memory_space<semaphore_mem>>
      tpu.enqueue_dma source(%arg7 : memref<80x16xf32, #tpu.memory_space<hbm>>) target(%arg18 : memref<80x16xf32, #tpu.memory_space<vmem>>) target_semaphore(%run_scoped3A : memref<!tpu.dma_semaphore, #tpu.memory_space<semaphore_mem>>)
      tpu.wait_dma2 semaphore(%run_scoped3A : memref<!tpu.dma_semaphore, #tpu.memory_space<semaphore_mem>>) src(%arg7 : memref<80x16xf32, #tpu.memory_space<hbm>>) dst(%arg18 : memref<80x16xf32, #tpu.memory_space<vmem>>)
      tpu.yield
    }) : () -> ()
    "tpu.region"() ({
      %run_scoped3A = tpu.sem_alloc : memref<!tpu.dma_semaphore, #tpu.memory_space<semaphore_mem>>
      %dma_start3A_22 = arith.constant 0 : i32
      %dma_start3A_23 = arith.constant 0 : i32
      %dma_start3A_24 = tpu.memref_slice %arg3[%add3A, %dma_start3A_22, %dma_start3A_23] : memref<32x128x80xi32, #tpu.memory_space<hbm>> -> memref<1x128x80xi32, #tpu.memory_space<hbm>>
      %dma_start3A_25 = tpu.memref_squeeze %dma_start3A_24 : memref<1x128x80xi32, #tpu.memory_space<hbm>> -> memref<128x80xi32, #tpu.memory_space<hbm>>
      %dma_start3A_26 = arith.constant 0 : i32
      %dma_start3A_27 = arith.constant 0 : i32
      %dma_start3A_28 = tpu.memref_slice %arg3[%add3A, %dma_start3A_26, %dma_start3A_27] : memref<32x128x80xi32, #tpu.memory_space<hbm>> -> memref<1x128x80xi32, #tpu.memory_space<hbm>>
      %dma_start3A_29 = tpu.memref_squeeze %dma_start3A_28 : memref<1x128x80xi32, #tpu.memory_space<hbm>> -> memref<128x80xi32, #tpu.memory_space<hbm>>
      tpu.enqueue_dma source(%dma_start3A_29 : memref<128x80xi32, #tpu.memory_space<hbm>>) target(%arg11 : memref<128x80xi32, #tpu.memory_space<vmem>>) target_semaphore(%run_scoped3A : memref<!tpu.dma_semaphore, #tpu.memory_space<semaphore_mem>>)
      %dma_wait3A = arith.constant 0 : i32
      %dma_wait3A_30 = arith.constant 0 : i32
      %dma_wait3A_31 = tpu.memref_slice %arg3[%add3A, %dma_wait3A, %dma_wait3A_30] : memref<32x128x80xi32, #tpu.memory_space<hbm>> -> memref<1x128x80xi32, #tpu.memory_space<hbm>>
      %dma_wait3A_32 = tpu.memref_squeeze %dma_wait3A_31 : memref<1x128x80xi32, #tpu.memory_space<hbm>> -> memref<128x80xi32, #tpu.memory_space<hbm>>
      %dma_wait3A_33 = arith.constant 0 : i32
      %dma_wait3A_34 = arith.constant 0 : i32
      %dma_wait3A_35 = tpu.memref_slice %arg3[%add3A, %dma_wait3A_33, %dma_wait3A_34] : memref<32x128x80xi32, #tpu.memory_space<hbm>> -> memref<1x128x80xi32, #tpu.memory_space<hbm>>
      %dma_wait3A_36 = tpu.memref_squeeze %dma_wait3A_35 : memref<1x128x80xi32, #tpu.memory_space<hbm>> -> memref<128x80xi32, #tpu.memory_space<hbm>>
      tpu.wait_dma2 semaphore(%run_scoped3A : memref<!tpu.dma_semaphore, #tpu.memory_space<semaphore_mem>>) src(%dma_wait3A_36 : memref<128x80xi32, #tpu.memory_space<hbm>>) dst(%arg11 : memref<128x80xi32, #tpu.memory_space<vmem>>)
      tpu.yield
    }) : () -> ()
    "tpu.region"() ({
      %run_scoped3A = tpu.sem_alloc : memref<!tpu.dma_semaphore, #tpu.memory_space<semaphore_mem>>
      %dma_start3A_22 = arith.constant 0 : i32
      %dma_start3A_23 = arith.constant 0 : i32
      %dma_start3A_24 = tpu.memref_slice %arg4[%add3A, %dma_start3A_22, %dma_start3A_23] : memref<32x128x80xi32, #tpu.memory_space<hbm>> -> memref<1x128x80xi32, #tpu.memory_space<hbm>>
      %dma_start3A_25 = tpu.memref_squeeze %dma_start3A_24 : memref<1x128x80xi32, #tpu.memory_space<hbm>> -> memref<128x80xi32, #tpu.memory_space<hbm>>
      %dma_start3A_26 = arith.constant 0 : i32
      %dma_start3A_27 = arith.constant 0 : i32
      %dma_start3A_28 = tpu.memref_slice %arg4[%add3A, %dma_start3A_26, %dma_start3A_27] : memref<32x128x80xi32, #tpu.memory_space<hbm>> -> memref<1x128x80xi32, #tpu.memory_space<hbm>>
      %dma_start3A_29 = tpu.memref_squeeze %dma_start3A_28 : memref<1x128x80xi32, #tpu.memory_space<hbm>> -> memref<128x80xi32, #tpu.memory_space<hbm>>
      tpu.enqueue_dma source(%dma_start3A_29 : memref<128x80xi32, #tpu.memory_space<hbm>>) target(%arg12 : memref<128x80xi32, #tpu.memory_space<vmem>>) target_semaphore(%run_scoped3A : memref<!tpu.dma_semaphore, #tpu.memory_space<semaphore_mem>>)
      %dma_wait3A = arith.constant 0 : i32
      %dma_wait3A_30 = arith.constant 0 : i32
      %dma_wait3A_31 = tpu.memref_slice %arg4[%add3A, %dma_wait3A, %dma_wait3A_30] : memref<32x128x80xi32, #tpu.memory_space<hbm>> -> memref<1x128x80xi32, #tpu.memory_space<hbm>>
      %dma_wait3A_32 = tpu.memref_squeeze %dma_wait3A_31 : memref<1x128x80xi32, #tpu.memory_space<hbm>> -> memref<128x80xi32, #tpu.memory_space<hbm>>
      %dma_wait3A_33 = arith.constant 0 : i32
      %dma_wait3A_34 = arith.constant 0 : i32
      %dma_wait3A_35 = tpu.memref_slice %arg4[%add3A, %dma_wait3A_33, %dma_wait3A_34] : memref<32x128x80xi32, #tpu.memory_space<hbm>> -> memref<1x128x80xi32, #tpu.memory_space<hbm>>
      %dma_wait3A_36 = tpu.memref_squeeze %dma_wait3A_35 : memref<1x128x80xi32, #tpu.memory_space<hbm>> -> memref<128x80xi32, #tpu.memory_space<hbm>>
      tpu.wait_dma2 semaphore(%run_scoped3A : memref<!tpu.dma_semaphore, #tpu.memory_space<semaphore_mem>>) src(%dma_wait3A_36 : memref<128x80xi32, #tpu.memory_space<hbm>>) dst(%arg12 : memref<128x80xi32, #tpu.memory_space<vmem>>)
      tpu.yield
    }) : () -> ()
    %barrier3A = arith.constant 0 : index
    tpu.barrier barrier_id(%barrier3A)
    %dma_start3A = arith.constant 0 : i32
    %dma_start3A_3 = arith.constant 0 : i32
    %dma_start3A_4 = tpu.memref_slice %arg12[%dma_start3A, %dma_start3A_3] : memref<128x80xi32, #tpu.memory_space<vmem>> -> memref<1x80xi32, #tpu.memory_space<vmem>>
    %dma_start3A_5 = tpu.memref_squeeze %dma_start3A_4 : memref<1x80xi32, #tpu.memory_space<vmem>> -> memref<80xi32, #tpu.memory_space<vmem>>
    %dma_start3A_6 = arith.constant 0 : i32
    %dma_start3A_7 = arith.constant 0 : i32
    %dma_start3A_8 = tpu.memref_slice %arg2[%dma_start3A_6, %dma_start3A_7] : memref<10000x64xf32, #tpu.memory_space<hbm>> -> memref<10000x64xf32, #tpu.memory_space<hbm>>
    tpu.enqueue_indirect_dma source(%dma_start3A_8 : memref<10000x64xf32, #tpu.memory_space<hbm>>) target(%arg13 : memref<80x64xf32, #tpu.memory_space<vmem>>) offsets(%dma_start3A_5 : memref<80xi32, #tpu.memory_space<vmem>>) semaphore(%arg15 : memref<!tpu.dma_semaphore, #tpu.memory_space<semaphore_mem>>)
    %dma_start3A_9 = arith.constant 1 : i32
    %dma_start3A_10 = arith.constant 0 : i32
    %dma_start3A_11 = tpu.memref_slice %arg12[%dma_start3A_9, %dma_start3A_10] : memref<128x80xi32, #tpu.memory_space<vmem>> -> memref<1x80xi32, #tpu.memory_space<vmem>>
    %dma_start3A_12 = tpu.memref_squeeze %dma_start3A_11 : memref<1x80xi32, #tpu.memory_space<vmem>> -> memref<80xi32, #tpu.memory_space<vmem>>
    %dma_start3A_13 = arith.constant 0 : i32
    %dma_start3A_14 = arith.constant 0 : i32
    %dma_start3A_15 = tpu.memref_slice %arg2[%dma_start3A_13, %dma_start3A_14] : memref<10000x64xf32, #tpu.memory_space<hbm>> -> memref<10000x64xf32, #tpu.memory_space<hbm>>
    tpu.enqueue_indirect_dma source(%dma_start3A_15 : memref<10000x64xf32, #tpu.memory_space<hbm>>) target(%arg14 : memref<80x64xf32, #tpu.memory_space<vmem>>) offsets(%dma_start3A_12 : memref<80xi32, #tpu.memory_space<vmem>>) semaphore(%arg16 : memref<!tpu.dma_semaphore, #tpu.memory_space<semaphore_mem>>)
    %scan3A = arith.constant 0 : i32
    %scan3A_16 = arith.constant 0 : i32
    %scan3A_17 = arith.constant 64 : i32
    %scan3A_18 = arith.addi %scan3A_16, %scan3A_17 : i32
    %scan3A_19 = arith.constant 1 : i32
    scf.for %scan3A_22 = %scan3A_16 to %scan3A_18 step %scan3A_19  : i32 {
      %mul3A_23 = arith.constant 2 : i32
      %mul3A_24 = arith.muli %mul3A_23, %scan3A_22 : i32
      %add3A_25 = arith.constant 0 : i32
      %add3A_26 = arith.addi %mul3A_24, %add3A_25 : i32
      %dma_wait3A = arith.constant 0 : i32
      %dma_wait3A_27 = tpu.memref_slice %arg12[%add3A_26, %dma_wait3A] : memref<128x80xi32, #tpu.memory_space<vmem>> -> memref<1x80xi32, #tpu.memory_space<vmem>>
      %dma_wait3A_28 = tpu.memref_squeeze %dma_wait3A_27 : memref<1x80xi32, #tpu.memory_space<vmem>> -> memref<80xi32, #tpu.memory_space<vmem>>
      %dma_wait3A_29 = arith.constant 0 : i32
      %dma_wait3A_30 = arith.constant 0 : i32
      %dma_wait3A_31 = tpu.memref_slice %arg2[%dma_wait3A_29, %dma_wait3A_30] : memref<10000x64xf32, #tpu.memory_space<hbm>> -> memref<10000x64xf32, #tpu.memory_space<hbm>>
      tpu.wait_indirect_dma semaphore(%arg15 : memref<!tpu.dma_semaphore, #tpu.memory_space<semaphore_mem>>) src(%dma_wait3A_31 : memref<10000x64xf32, #tpu.memory_space<hbm>>) dst(%arg13 : memref<80x64xf32, #tpu.memory_space<vmem>>)
      "tpu.region"() ({
        %run_scoped3A = tpu.sem_alloc : memref<!tpu.dma_semaphore, #tpu.memory_space<semaphore_mem>>
        %dma_start3A_53 = arith.constant 0 : i32
        %dma_start3A_54 = tpu.memref_slice %arg11[%add3A_26, %dma_start3A_53] : memref<128x80xi32, #tpu.memory_space<vmem>> -> memref<1x80xi32, #tpu.memory_space<vmem>>
        %dma_start3A_55 = tpu.memref_squeeze %dma_start3A_54 : memref<1x80xi32, #tpu.memory_space<vmem>> -> memref<80xi32, #tpu.memory_space<vmem>>
        %dma_start3A_56 = arith.constant 0 : i32
        %dma_start3A_57 = arith.constant 0 : i32
        %dma_start3A_58 = tpu.memref_slice %arg10[%dma_start3A_56, %dma_start3A_57] : memref<10240x64xf32, #tpu.memory_space<vmem_shared>> -> memref<10240x64xf32, #tpu.memory_space<vmem_shared>>
        tpu.enqueue_indirect_dma source(%arg13 : memref<80x64xf32, #tpu.memory_space<vmem>>) target(%dma_start3A_58 : memref<10240x64xf32, #tpu.memory_space<vmem_shared>>) offsets(%dma_start3A_55 : memref<80xi32, #tpu.memory_space<vmem>>) semaphore(%run_scoped3A : memref<!tpu.dma_semaphore, #tpu.memory_space<semaphore_mem>>) {add = true}
        %dma_wait3A_59 = arith.constant 0 : i32
        %dma_wait3A_60 = tpu.memref_slice %arg11[%add3A_26, %dma_wait3A_59] : memref<128x80xi32, #tpu.memory_space<vmem>> -> memref<1x80xi32, #tpu.memory_space<vmem>>
        %dma_wait3A_61 = tpu.memref_squeeze %dma_wait3A_60 : memref<1x80xi32, #tpu.memory_space<vmem>> -> memref<80xi32, #tpu.memory_space<vmem>>
        %dma_wait3A_62 = arith.constant 0 : i32
        %dma_wait3A_63 = arith.constant 0 : i32
        %dma_wait3A_64 = tpu.memref_slice %arg10[%dma_wait3A_62, %dma_wait3A_63] : memref<10240x64xf32, #tpu.memory_space<vmem_shared>> -> memref<10240x64xf32, #tpu.memory_space<vmem_shared>>
        tpu.wait_indirect_dma semaphore(%run_scoped3A : memref<!tpu.dma_semaphore, #tpu.memory_space<semaphore_mem>>) src(%arg13 : memref<80x64xf32, #tpu.memory_space<vmem>>) dst(%dma_wait3A_64 : memref<10240x64xf32, #tpu.memory_space<vmem_shared>>)
        tpu.yield
      }) : () -> ()
      "tpu.region"() ({
        %run_scoped3A = tpu.sem_alloc : memref<!tpu.dma_semaphore, #tpu.memory_space<semaphore_mem>>
        %dma_start3A_53 = arith.constant 0 : i32
        %dma_start3A_54 = tpu.memref_slice %arg11[%add3A_26, %dma_start3A_53] : memref<128x80xi32, #tpu.memory_space<vmem>> -> memref<1x80xi32, #tpu.memory_space<vmem>>
        %dma_start3A_55 = tpu.memref_squeeze %dma_start3A_54 : memref<1x80xi32, #tpu.memory_space<vmem>> -> memref<80xi32, #tpu.memory_space<vmem>>
        %dma_start3A_56 = arith.constant 0 : i32
        %dma_start3A_57 = arith.constant 0 : i32
        %dma_start3A_58 = tpu.memref_slice %arg17[%dma_start3A_56, %dma_start3A_57] : memref<10240x16xf32, #tpu.memory_space<vmem_shared>> -> memref<10240x16xf32, #tpu.memory_space<vmem_shared>>
        tpu.enqueue_indirect_dma source(%arg18 : memref<80x16xf32, #tpu.memory_space<vmem>>) target(%dma_start3A_58 : memref<10240x16xf32, #tpu.memory_space<vmem_shared>>) offsets(%dma_start3A_55 : memref<80xi32, #tpu.memory_space<vmem>>) semaphore(%run_scoped3A : memref<!tpu.dma_semaphore, #tpu.memory_space<semaphore_mem>>) {add = true}
        %dma_wait3A_59 = arith.constant 0 : i32
        %dma_wait3A_60 = tpu.memref_slice %arg11[%add3A_26, %dma_wait3A_59] : memref<128x80xi32, #tpu.memory_space<vmem>> -> memref<1x80xi32, #tpu.memory_space<vmem>>
        %dma_wait3A_61 = tpu.memref_squeeze %dma_wait3A_60 : memref<1x80xi32, #tpu.memory_space<vmem>> -> memref<80xi32, #tpu.memory_space<vmem>>
        %dma_wait3A_62 = arith.constant 0 : i32
        %dma_wait3A_63 = arith.constant 0 : i32
        %dma_wait3A_64 = tpu.memref_slice %arg17[%dma_wait3A_62, %dma_wait3A_63] : memref<10240x16xf32, #tpu.memory_space<vmem_shared>> -> memref<10240x16xf32, #tpu.memory_space<vmem_shared>>
        tpu.wait_indirect_dma semaphore(%run_scoped3A : memref<!tpu.dma_semaphore, #tpu.memory_space<semaphore_mem>>) src(%arg18 : memref<80x16xf32, #tpu.memory_space<vmem>>) dst(%dma_wait3A_64 : memref<10240x16xf32, #tpu.memory_space<vmem_shared>>)
        tpu.yield
      }) : () -> ()
      %add3A_32 = arith.constant 2 : i32
      %add3A_33 = arith.addi %add3A_26, %add3A_32 : i32
      %lt3A = arith.constant 128 : i32
      %lt3A_34 = arith.cmpi slt, %add3A_33, %lt3A : i32
      %convert_element_type3A = arith.extui %lt3A_34 : i1 to i32
      %cond3A = arith.constant 0 : i32
      %cond3A_35 = arith.cmpi ne, %convert_element_type3A, %cond3A : i32
      scf.if %cond3A_35 {
        %add3A_53 = arith.constant 2 : i32
        %add3A_54 = arith.addi %add3A_26, %add3A_53 : i32
        %dma_start3A_55 = arith.constant 0 : i32
        %dma_start3A_56 = tpu.memref_slice %arg12[%add3A_54, %dma_start3A_55] : memref<128x80xi32, #tpu.memory_space<vmem>> -> memref<1x80xi32, #tpu.memory_space<vmem>>
        %dma_start3A_57 = tpu.memref_squeeze %dma_start3A_56 : memref<1x80xi32, #tpu.memory_space<vmem>> -> memref<80xi32, #tpu.memory_space<vmem>>
        %dma_start3A_58 = arith.constant 0 : i32
        %dma_start3A_59 = arith.constant 0 : i32
        %dma_start3A_60 = tpu.memref_slice %arg2[%dma_start3A_58, %dma_start3A_59] : memref<10000x64xf32, #tpu.memory_space<hbm>> -> memref<10000x64xf32, #tpu.memory_space<hbm>>
        tpu.enqueue_indirect_dma source(%dma_start3A_60 : memref<10000x64xf32, #tpu.memory_space<hbm>>) target(%arg13 : memref<80x64xf32, #tpu.memory_space<vmem>>) offsets(%dma_start3A_57 : memref<80xi32, #tpu.memory_space<vmem>>) semaphore(%arg15 : memref<!tpu.dma_semaphore, #tpu.memory_space<semaphore_mem>>)
      } else {
      }
      %mul3A_36 = arith.constant 2 : i32
      %mul3A_37 = arith.muli %mul3A_36, %scan3A_22 : i32
      %add3A_38 = arith.constant 1 : i32
      %add3A_39 = arith.addi %mul3A_37, %add3A_38 : i32
      %dma_wait3A_40 = arith.constant 0 : i32
      %dma_wait3A_41 = tpu.memref_slice %arg12[%add3A_39, %dma_wait3A_40] : memref<128x80xi32, #tpu.memory_space<vmem>> -> memref<1x80xi32, #tpu.memory_space<vmem>>
      %dma_wait3A_42 = tpu.memref_squeeze %dma_wait3A_41 : memref<1x80xi32, #tpu.memory_space<vmem>> -> memref<80xi32, #tpu.memory_space<vmem>>
      %dma_wait3A_43 = arith.constant 0 : i32
      %dma_wait3A_44 = arith.constant 0 : i32
      %dma_wait3A_45 = tpu.memref_slice %arg2[%dma_wait3A_43, %dma_wait3A_44] : memref<10000x64xf32, #tpu.memory_space<hbm>> -> memref<10000x64xf32, #tpu.memory_space<hbm>>
      tpu.wait_indirect_dma semaphore(%arg16 : memref<!tpu.dma_semaphore, #tpu.memory_space<semaphore_mem>>) src(%dma_wait3A_45 : memref<10000x64xf32, #tpu.memory_space<hbm>>) dst(%arg14 : memref<80x64xf32, #tpu.memory_space<vmem>>)
      "tpu.region"() ({
        %run_scoped3A = tpu.sem_alloc : memref<!tpu.dma_semaphore, #tpu.memory_space<semaphore_mem>>
        %dma_start3A_53 = arith.constant 0 : i32
        %dma_start3A_54 = tpu.memref_slice %arg11[%add3A_39, %dma_start3A_53] : memref<128x80xi32, #tpu.memory_space<vmem>> -> memref<1x80xi32, #tpu.memory_space<vmem>>
        %dma_start3A_55 = tpu.memref_squeeze %dma_start3A_54 : memref<1x80xi32, #tpu.memory_space<vmem>> -> memref<80xi32, #tpu.memory_space<vmem>>
        %dma_start3A_56 = arith.constant 0 : i32
        %dma_start3A_57 = arith.constant 0 : i32
        %dma_start3A_58 = tpu.memref_slice %arg10[%dma_start3A_56, %dma_start3A_57] : memref<10240x64xf32, #tpu.memory_space<vmem_shared>> -> memref<10240x64xf32, #tpu.memory_space<vmem_shared>>
        tpu.enqueue_indirect_dma source(%arg14 : memref<80x64xf32, #tpu.memory_space<vmem>>) target(%dma_start3A_58 : memref<10240x64xf32, #tpu.memory_space<vmem_shared>>) offsets(%dma_start3A_55 : memref<80xi32, #tpu.memory_space<vmem>>) semaphore(%run_scoped3A : memref<!tpu.dma_semaphore, #tpu.memory_space<semaphore_mem>>) {add = true}
        %dma_wait3A_59 = arith.constant 0 : i32
        %dma_wait3A_60 = tpu.memref_slice %arg11[%add3A_39, %dma_wait3A_59] : memref<128x80xi32, #tpu.memory_space<vmem>> -> memref<1x80xi32, #tpu.memory_space<vmem>>
        %dma_wait3A_61 = tpu.memref_squeeze %dma_wait3A_60 : memref<1x80xi32, #tpu.memory_space<vmem>> -> memref<80xi32, #tpu.memory_space<vmem>>
        %dma_wait3A_62 = arith.constant 0 : i32
        %dma_wait3A_63 = arith.constant 0 : i32
        %dma_wait3A_64 = tpu.memref_slice %arg10[%dma_wait3A_62, %dma_wait3A_63] : memref<10240x64xf32, #tpu.memory_space<vmem_shared>> -> memref<10240x64xf32, #tpu.memory_space<vmem_shared>>
        tpu.wait_indirect_dma semaphore(%run_scoped3A : memref<!tpu.dma_semaphore, #tpu.memory_space<semaphore_mem>>) src(%arg14 : memref<80x64xf32, #tpu.memory_space<vmem>>) dst(%dma_wait3A_64 : memref<10240x64xf32, #tpu.memory_space<vmem_shared>>)
        tpu.yield
      }) : () -> ()
      "tpu.region"() ({
        %run_scoped3A = tpu.sem_alloc : memref<!tpu.dma_semaphore, #tpu.memory_space<semaphore_mem>>
        %dma_start3A_53 = arith.constant 0 : i32
        %dma_start3A_54 = tpu.memref_slice %arg11[%add3A_39, %dma_start3A_53] : memref<128x80xi32, #tpu.memory_space<vmem>> -> memref<1x80xi32, #tpu.memory_space<vmem>>
        %dma_start3A_55 = tpu.memref_squeeze %dma_start3A_54 : memref<1x80xi32, #tpu.memory_space<vmem>> -> memref<80xi32, #tpu.memory_space<vmem>>
        %dma_start3A_56 = arith.constant 0 : i32
        %dma_start3A_57 = arith.constant 0 : i32
        %dma_start3A_58 = tpu.memref_slice %arg17[%dma_start3A_56, %dma_start3A_57] : memref<10240x16xf32, #tpu.memory_space<vmem_shared>> -> memref<10240x16xf32, #tpu.memory_space<vmem_shared>>
        tpu.enqueue_indirect_dma source(%arg18 : memref<80x16xf32, #tpu.memory_space<vmem>>) target(%dma_start3A_58 : memref<10240x16xf32, #tpu.memory_space<vmem_shared>>) offsets(%dma_start3A_55 : memref<80xi32, #tpu.memory_space<vmem>>) semaphore(%run_scoped3A : memref<!tpu.dma_semaphore, #tpu.memory_space<semaphore_mem>>) {add = true}
        %dma_wait3A_59 = arith.constant 0 : i32
        %dma_wait3A_60 = tpu.memref_slice %arg11[%add3A_39, %dma_wait3A_59] : memref<128x80xi32, #tpu.memory_space<vmem>> -> memref<1x80xi32, #tpu.memory_space<vmem>>
        %dma_wait3A_61 = tpu.memref_squeeze %dma_wait3A_60 : memref<1x80xi32, #tpu.memory_space<vmem>> -> memref<80xi32, #tpu.memory_space<vmem>>
        %dma_wait3A_62 = arith.constant 0 : i32
        %dma_wait3A_63 = arith.constant 0 : i32
        %dma_wait3A_64 = tpu.memref_slice %arg17[%dma_wait3A_62, %dma_wait3A_63] : memref<10240x16xf32, #tpu.memory_space<vmem_shared>> -> memref<10240x16xf32, #tpu.memory_space<vmem_shared>>
        tpu.wait_indirect_dma semaphore(%run_scoped3A : memref<!tpu.dma_semaphore, #tpu.memory_space<semaphore_mem>>) src(%arg18 : memref<80x16xf32, #tpu.memory_space<vmem>>) dst(%dma_wait3A_64 : memref<10240x16xf32, #tpu.memory_space<vmem_shared>>)
        tpu.yield
      }) : () -> ()
      %add3A_46 = arith.constant 2 : i32
      %add3A_47 = arith.addi %add3A_39, %add3A_46 : i32
      %lt3A_48 = arith.constant 128 : i32
      %lt3A_49 = arith.cmpi slt, %add3A_47, %lt3A_48 : i32
      %convert_element_type3A_50 = arith.extui %lt3A_49 : i1 to i32
      %cond3A_51 = arith.constant 0 : i32
      %cond3A_52 = arith.cmpi ne, %convert_element_type3A_50, %cond3A_51 : i32
      scf.if %cond3A_52 {
        %add3A_53 = arith.constant 2 : i32
        %add3A_54 = arith.addi %add3A_39, %add3A_53 : i32
        %dma_start3A_55 = arith.constant 0 : i32
        %dma_start3A_56 = tpu.memref_slice %arg12[%add3A_54, %dma_start3A_55] : memref<128x80xi32, #tpu.memory_space<vmem>> -> memref<1x80xi32, #tpu.memory_space<vmem>>
        %dma_start3A_57 = tpu.memref_squeeze %dma_start3A_56 : memref<1x80xi32, #tpu.memory_space<vmem>> -> memref<80xi32, #tpu.memory_space<vmem>>
        %dma_start3A_58 = arith.constant 0 : i32
        %dma_start3A_59 = arith.constant 0 : i32
        %dma_start3A_60 = tpu.memref_slice %arg2[%dma_start3A_58, %dma_start3A_59] : memref<10000x64xf32, #tpu.memory_space<hbm>> -> memref<10000x64xf32, #tpu.memory_space<hbm>>
        tpu.enqueue_indirect_dma source(%dma_start3A_60 : memref<10000x64xf32, #tpu.memory_space<hbm>>) target(%arg14 : memref<80x64xf32, #tpu.memory_space<vmem>>) offsets(%dma_start3A_57 : memref<80xi32, #tpu.memory_space<vmem>>) semaphore(%arg16 : memref<!tpu.dma_semaphore, #tpu.memory_space<semaphore_mem>>)
      } else {
      }
    }
    %scan3A_20 = arith.constant 64 : i32
    %barrier3A_21 = arith.constant 0 : index
    tpu.barrier barrier_id(%barrier3A_21)
    "tpu.region"() ({
      %run_scoped3A = tpu.sem_alloc : memref<!tpu.dma_semaphore, #tpu.memory_space<semaphore_mem>>
      %dma_start3A_22 = arith.constant 0 : i32
      %dma_start3A_23 = tpu.memref_slice %arg8[%arg0, %mul3A_2, %dma_start3A_22] : memref<2x10240x64xf32, #tpu.memory_space<hbm>> -> memref<1x640x64xf32, #tpu.memory_space<hbm>>
      %dma_start3A_24 = tpu.memref_squeeze %dma_start3A_23 : memref<1x640x64xf32, #tpu.memory_space<hbm>> -> memref<640x64xf32, #tpu.memory_space<hbm>>
      %dma_start3A_25 = arith.constant 0 : i32
      %dma_start3A_26 = tpu.memref_slice %arg10[%mul3A_2, %dma_start3A_25] : memref<10240x64xf32, #tpu.memory_space<vmem_shared>> -> memref<640x64xf32, #tpu.memory_space<vmem_shared>>
      tpu.enqueue_dma source(%dma_start3A_26 : memref<640x64xf32, #tpu.memory_space<vmem_shared>>) target(%dma_start3A_24 : memref<640x64xf32, #tpu.memory_space<hbm>>) target_semaphore(%run_scoped3A : memref<!tpu.dma_semaphore, #tpu.memory_space<semaphore_mem>>)
      %dma_wait3A = arith.constant 0 : i32
      %dma_wait3A_27 = tpu.memref_slice %arg8[%arg0, %mul3A_2, %dma_wait3A] : memref<2x10240x64xf32, #tpu.memory_space<hbm>> -> memref<1x640x64xf32, #tpu.memory_space<hbm>>
      %dma_wait3A_28 = tpu.memref_squeeze %dma_wait3A_27 : memref<1x640x64xf32, #tpu.memory_space<hbm>> -> memref<640x64xf32, #tpu.memory_space<hbm>>
      %dma_wait3A_29 = arith.constant 0 : i32
      %dma_wait3A_30 = tpu.memref_slice %arg10[%mul3A_2, %dma_wait3A_29] : memref<10240x64xf32, #tpu.memory_space<vmem_shared>> -> memref<640x64xf32, #tpu.memory_space<vmem_shared>>
      tpu.wait_dma2 semaphore(%run_scoped3A : memref<!tpu.dma_semaphore, #tpu.memory_space<semaphore_mem>>) src(%dma_wait3A_30 : memref<640x64xf32, #tpu.memory_space<vmem_shared>>) dst(%dma_wait3A_28 : memref<640x64xf32, #tpu.memory_space<hbm>>)
      tpu.yield
    }) : () -> ()
    "tpu.region"() ({
      %run_scoped3A = tpu.sem_alloc : memref<!tpu.dma_semaphore, #tpu.memory_space<semaphore_mem>>
      %dma_start3A_22 = arith.constant 0 : i32
      %dma_start3A_23 = tpu.memref_slice %arg9[%arg0, %mul3A_2, %dma_start3A_22] : memref<2x10240x16xf32, #tpu.memory_space<hbm>> -> memref<1x640x16xf32, #tpu.memory_space<hbm>>
      %dma_start3A_24 = tpu.memref_squeeze %dma_start3A_23 : memref<1x640x16xf32, #tpu.memory_space<hbm>> -> memref<640x16xf32, #tpu.memory_space<hbm>>
      %dma_start3A_25 = arith.constant 0 : i32
      %dma_start3A_26 = tpu.memref_slice %arg17[%mul3A_2, %dma_start3A_25] : memref<10240x16xf32, #tpu.memory_space<vmem_shared>> -> memref<640x16xf32, #tpu.memory_space<vmem_shared>>
      tpu.enqueue_dma source(%dma_start3A_26 : memref<640x16xf32, #tpu.memory_space<vmem_shared>>) target(%dma_start3A_24 : memref<640x16xf32, #tpu.memory_space<hbm>>) target_semaphore(%run_scoped3A : memref<!tpu.dma_semaphore, #tpu.memory_space<semaphore_mem>>)
      %dma_wait3A = arith.constant 0 : i32
      %dma_wait3A_27 = tpu.memref_slice %arg9[%arg0, %mul3A_2, %dma_wait3A] : memref<2x10240x16xf32, #tpu.memory_space<hbm>> -> memref<1x640x16xf32, #tpu.memory_space<hbm>>
      %dma_wait3A_28 = tpu.memref_squeeze %dma_wait3A_27 : memref<1x640x16xf32, #tpu.memory_space<hbm>> -> memref<640x16xf32, #tpu.memory_space<hbm>>
      %dma_wait3A_29 = arith.constant 0 : i32
      %dma_wait3A_30 = tpu.memref_slice %arg17[%mul3A_2, %dma_wait3A_29] : memref<10240x16xf32, #tpu.memory_space<vmem_shared>> -> memref<640x16xf32, #tpu.memory_space<vmem_shared>>
      tpu.wait_dma2 semaphore(%run_scoped3A : memref<!tpu.dma_semaphore, #tpu.memory_space<semaphore_mem>>) src(%dma_wait3A_30 : memref<640x16xf32, #tpu.memory_space<vmem_shared>>) dst(%dma_wait3A_28 : memref<640x16xf32, #tpu.memory_space<hbm>>)
      tpu.yield
    }) : () -> ()
    return
  }
}

module attributes {stable_mosaic.version = 14 : i64} {
  func.func @_tc_pre_body(%arg0: memref<10000x128xf32, #tpu.memory_space<vmem>>, %arg1: memref<64x128xf32, #tpu.memory_space<vmem>>, %arg2: memref<64x128xf32, #tpu.memory_space<vmem>>, %arg3: memref<10000x64xf32, #tpu.memory_space<vmem>>, %arg4: memref<10000x64xf32, #tpu.memory_space<vmem>>) attributes {dimension_semantics = [], scalar_prefetch = 0 : i64, scratch_operands = 0 : i64, tpu.core_type = #tpu.core_type<tc>} {
    %get3A = arith.constant 0 : index
    %get3A_0 = arith.constant 0 : index
    %get3A_1 = vector.load %arg0[%get3A, %get3A_0] : memref<10000x128xf32, #tpu.memory_space<vmem>>, vector<10000x128xf32>
    %get3A_2 = arith.constant 0 : index
    %get3A_3 = arith.constant 0 : index
    %get3A_4 = vector.load %arg1[%get3A_2, %get3A_3] : memref<64x128xf32, #tpu.memory_space<vmem>>, vector<64x128xf32>
    %dot_general3A = arith.constant dense<0.000000e+00> : vector<10000x64xf32>
    %dot_general3A_5 = tpu.matmul %get3A_1, %get3A_4, %dot_general3A {dimension_numbers = #tpu.dot_dimension_numbers<[1], [1], [0], [0], [0, 0, 1, 0], [], []>, transpose_lhs_hint = false} : vector<10000x128xf32>, vector<64x128xf32>, vector<10000x64xf32> -> vector<10000x64xf32>
    %swap3A = arith.constant 0 : index
    %swap3A_6 = arith.constant 0 : index
    %swap3A_7 = vector.load %arg3[%swap3A, %swap3A_6] : memref<10000x64xf32, #tpu.memory_space<vmem>>, vector<10000x64xf32>
    tpu.vector_store %arg3[%swap3A, %swap3A_6], %dot_general3A_5 {strides = array<i32>} : memref<10000x64xf32, #tpu.memory_space<vmem>>, vector<10000x64xf32>,
    %get3A_8 = arith.constant 0 : index
    %get3A_9 = arith.constant 0 : index
    %get3A_10 = vector.load %arg2[%get3A_8, %get3A_9] : memref<64x128xf32, #tpu.memory_space<vmem>>, vector<64x128xf32>
    %dot_general3A_11 = arith.constant dense<0.000000e+00> : vector<10000x64xf32>
    %dot_general3A_12 = tpu.matmul %get3A_1, %get3A_10, %dot_general3A_11 {dimension_numbers = #tpu.dot_dimension_numbers<[1], [1], [0], [0], [0, 0, 1, 0], [], []>, transpose_lhs_hint = false} : vector<10000x128xf32>, vector<64x128xf32>, vector<10000x64xf32> -> vector<10000x64xf32>
    %swap3A_13 = arith.constant 0 : index
    %swap3A_14 = arith.constant 0 : index
    %swap3A_15 = vector.load %arg4[%swap3A_13, %swap3A_14] : memref<10000x64xf32, #tpu.memory_space<vmem>>, vector<10000x64xf32>
    tpu.vector_store %arg4[%swap3A_13, %swap3A_14], %dot_general3A_12 {strides = array<i32>} : memref<10000x64xf32, #tpu.memory_space<vmem>>, vector<10000x64xf32>,
    return
  }
}

module attributes {stable_mosaic.version = 14 : i64} {
  func.func @_tc_mid1_body(%arg0: memref<10000x64xf32, #tpu.memory_space<vmem>>, %arg1: memref<2x10240x64xf32, #tpu.memory_space<vmem>>, %arg2: memref<2x10240x16xf32, #tpu.memory_space<vmem>>, %arg3: memref<1x64xf32, #tpu.memory_space<vmem>>, %arg4: memref<1x64xf32, #tpu.memory_space<vmem>>, %arg5: memref<1x64xf32, #tpu.memory_space<vmem>>, %arg6: memref<1x64xf32, #tpu.memory_space<vmem>>, %arg7: memref<64x64xf32, #tpu.memory_space<vmem>>, %arg8: memref<64x64xf32, #tpu.memory_space<vmem>>, %arg9: memref<10000x64xf32, #tpu.memory_space<vmem>>, %arg10: memref<10000x64xf32, #tpu.memory_space<vmem>>, %arg11: memref<10000x1xf32, #tpu.memory_space<vmem>>) attributes {dimension_semantics = [], scalar_prefetch = 0 : i64, scratch_operands = 0 : i64, tpu.core_type = #tpu.core_type<tc>} {
    %get3A = arith.constant 0 : index
    %get3A_0 = arith.constant 0 : index
    %get3A_1 = arith.constant 0 : index
    %get3A_2 = vector.load %arg2[%get3A, %get3A_0, %get3A_1] : memref<2x10240x16xf32, #tpu.memory_space<vmem>>, vector<1x10000x1xf32>
    %get3A_3 = vector.shape_cast %get3A_2 : vector<1x10000x1xf32> to vector<10000x1xf32>
    %get3A_4 = arith.constant 1 : index
    %get3A_5 = arith.constant 0 : index
    %get3A_6 = arith.constant 0 : index
    %get3A_7 = vector.load %arg2[%get3A_4, %get3A_5, %get3A_6] : memref<2x10240x16xf32, #tpu.memory_space<vmem>>, vector<1x10000x1xf32>
    %get3A_8 = vector.shape_cast %get3A_7 : vector<1x10000x1xf32> to vector<10000x1xf32>
    %add3A = arith.addf %get3A_3, %get3A_8 : vector<10000x1xf32>
    %max3A = arith.constant 1.000000e+00 : f32
    %max3A_9 = vector.broadcast %max3A : f32 to vector<10000x1xf32>
    %max3A_10 = arith.maximumf %add3A, %max3A_9 : vector<10000x1xf32>
    %div3A = arith.constant 1.000000e+00 : f32
    %div3A_11 = vector.broadcast %div3A : f32 to vector<10000x1xf32>
    %div3A_12 = arith.divf %div3A_11, %max3A_10 : vector<10000x1xf32>
    %swap3A = arith.constant 0 : index
    %swap3A_13 = arith.constant 0 : index
    %swap3A_14 = vector.load %arg11[%swap3A, %swap3A_13] : memref<10000x1xf32, #tpu.memory_space<vmem>>, vector<10000x1xf32>
    tpu.vector_store %arg11[%swap3A, %swap3A_13], %div3A_12 {strides = array<i32>} : memref<10000x1xf32, #tpu.memory_space<vmem>>, vector<10000x1xf32>,
    %get3A_15 = arith.constant 0 : index
    %get3A_16 = arith.constant 0 : index
    %get3A_17 = vector.load %arg0[%get3A_15, %get3A_16] : memref<10000x64xf32, #tpu.memory_space<vmem>>, vector<10000x64xf32>
    %get3A_18 = arith.constant 0 : index
    %get3A_19 = arith.constant 0 : index
    %get3A_20 = vector.load %arg3[%get3A_18, %get3A_19] : memref<1x64xf32, #tpu.memory_space<vmem>>, vector<1x64xf32>
    %get3A_21 = arith.constant 0 : index
    %get3A_22 = arith.constant 0 : index
    %get3A_23 = vector.load %arg4[%get3A_21, %get3A_22] : memref<1x64xf32, #tpu.memory_space<vmem>>, vector<1x64xf32>
    %get3A_24 = arith.constant 0 : index
    %get3A_25 = arith.constant 0 : index
    %get3A_26 = vector.load %arg5[%get3A_24, %get3A_25] : memref<1x64xf32, #tpu.memory_space<vmem>>, vector<1x64xf32>
    %get3A_27 = arith.constant 0 : index
    %get3A_28 = arith.constant 0 : index
    %get3A_29 = vector.load %arg6[%get3A_27, %get3A_28] : memref<1x64xf32, #tpu.memory_space<vmem>>, vector<1x64xf32>
    %get3A_30 = arith.constant 0 : index
    %get3A_31 = arith.constant 0 : index
    %get3A_32 = arith.constant 0 : index
    %get3A_33 = vector.load %arg1[%get3A_30, %get3A_31, %get3A_32] : memref<2x10240x64xf32, #tpu.memory_space<vmem>>, vector<1x10000x64xf32>
    %get3A_34 = vector.shape_cast %get3A_33 : vector<1x10000x64xf32> to vector<10000x64xf32>
    %get3A_35 = arith.constant 1 : index
    %get3A_36 = arith.constant 0 : index
    %get3A_37 = arith.constant 0 : index
    %get3A_38 = vector.load %arg1[%get3A_35, %get3A_36, %get3A_37] : memref<2x10240x64xf32, #tpu.memory_space<vmem>>, vector<1x10000x64xf32>
    %get3A_39 = vector.shape_cast %get3A_38 : vector<1x10000x64xf32> to vector<10000x64xf32>
    %add3A_40 = arith.addf %get3A_34, %get3A_39 : vector<10000x64xf32>
    %mul3A = vector.broadcast %div3A_12 : vector<10000x1xf32> to vector<10000x64xf32>
    %mul3A_41 = arith.mulf %add3A_40, %mul3A : vector<10000x64xf32>
    %add3A_42 = vector.broadcast %get3A_20 : vector<1x64xf32> to vector<10000x64xf32>
    %add3A_43 = arith.addf %get3A_17, %add3A_42 : vector<10000x64xf32>
    %add3A_44 = arith.addf %add3A_43, %mul3A_41 : vector<10000x64xf32>
    %add3A_45 = vector.broadcast %get3A_23 : vector<1x64xf32> to vector<10000x64xf32>
    %add3A_46 = arith.addf %add3A_44, %add3A_45 : vector<10000x64xf32>
    %max3A_47 = arith.constant 0.000000e+00 : f32
    %max3A_48 = vector.broadcast %max3A_47 : f32 to vector<10000x64xf32>
    %max3A_49 = arith.maximumf %add3A_46, %max3A_48 : vector<10000x64xf32>
    %reduce_sum3A = arith.constant dense<0.000000e+00> : vector<10000xf32>
    %reduce_sum3A_50 = vector.multi_reduction <add>, %max3A_49, %reduce_sum3A [1] : vector<10000x64xf32> to vector<10000xf32>
    %broadcast_in_dim3A = vector.shape_cast %reduce_sum3A_50 : vector<10000xf32> to vector<10000x1xf32>
    %div3A_51 = arith.constant 6.400000e+01 : f32
    %div3A_52 = vector.broadcast %div3A_51 : f32 to vector<10000x1xf32>
    %div3A_53 = arith.divf %broadcast_in_dim3A, %div3A_52 : vector<10000x1xf32>
    %sub3A = vector.broadcast %div3A_53 : vector<10000x1xf32> to vector<10000x64xf32>
    %sub3A_54 = arith.subf %max3A_49, %sub3A : vector<10000x64xf32>
    %sub3A_55 = vector.broadcast %div3A_53 : vector<10000x1xf32> to vector<10000x64xf32>
    %sub3A_56 = arith.subf %max3A_49, %sub3A_55 : vector<10000x64xf32>
    %mul3A_57 = arith.mulf %sub3A_54, %sub3A_56 : vector<10000x64xf32>
    %reduce_sum3A_58 = arith.constant dense<0.000000e+00> : vector<10000xf32>
    %reduce_sum3A_59 = vector.multi_reduction <add>, %mul3A_57, %reduce_sum3A_58 [1] : vector<10000x64xf32> to vector<10000xf32>
    %broadcast_in_dim3A_60 = vector.shape_cast %reduce_sum3A_59 : vector<10000xf32> to vector<10000x1xf32>
    %div3A_61 = arith.constant 6.400000e+01 : f32
    %div3A_62 = vector.broadcast %div3A_61 : f32 to vector<10000x1xf32>
    %div3A_63 = arith.divf %broadcast_in_dim3A_60, %div3A_62 : vector<10000x1xf32>
    %sub3A_64 = vector.broadcast %div3A_53 : vector<10000x1xf32> to vector<10000x64xf32>
    %sub3A_65 = arith.subf %max3A_49, %sub3A_64 : vector<10000x64xf32>
    %add3A_66 = arith.constant 9.99999974E-6 : f32
    %add3A_67 = vector.broadcast %add3A_66 : f32 to vector<10000x1xf32>
    %add3A_68 = arith.addf %div3A_63, %add3A_67 : vector<10000x1xf32>
    %rsqrt3A = math.rsqrt %add3A_68 : vector<10000x1xf32>
    %mul3A_69 = vector.broadcast %rsqrt3A : vector<10000x1xf32> to vector<10000x64xf32>
    %mul3A_70 = arith.mulf %sub3A_65, %mul3A_69 : vector<10000x64xf32>
    %mul3A_71 = vector.broadcast %get3A_26 : vector<1x64xf32> to vector<10000x64xf32>
    %mul3A_72 = arith.mulf %mul3A_70, %mul3A_71 : vector<10000x64xf32>
    %add3A_73 = vector.broadcast %get3A_29 : vector<1x64xf32> to vector<10000x64xf32>
    %add3A_74 = arith.addf %mul3A_72, %add3A_73 : vector<10000x64xf32>
    %get3A_75 = arith.constant 0 : index
    %get3A_76 = arith.constant 0 : index
    %get3A_77 = vector.load %arg7[%get3A_75, %get3A_76] : memref<64x64xf32, #tpu.memory_space<vmem>>, vector<64x64xf32>
    %dot_general3A = arith.constant dense<0.000000e+00> : vector<10000x64xf32>
    %dot_general3A_78 = tpu.matmul %add3A_74, %get3A_77, %dot_general3A {dimension_numbers = #tpu.dot_dimension_numbers<[1], [1], [0], [0], [0, 0, 1, 0], [], []>, transpose_lhs_hint = false} : vector<10000x64xf32>, vector<64x64xf32>, vector<10000x64xf32> -> vector<10000x64xf32>
    %swap3A_79 = arith.constant 0 : index
    %swap3A_80 = arith.constant 0 : index
    %swap3A_81 = vector.load %arg9[%swap3A_79, %swap3A_80] : memref<10000x64xf32, #tpu.memory_space<vmem>>, vector<10000x64xf32>
    tpu.vector_store %arg9[%swap3A_79, %swap3A_80], %dot_general3A_78 {strides = array<i32>} : memref<10000x64xf32, #tpu.memory_space<vmem>>, vector<10000x64xf32>,
    %get3A_82 = arith.constant 0 : index
    %get3A_83 = arith.constant 0 : index
    %get3A_84 = vector.load %arg8[%get3A_82, %get3A_83] : memref<64x64xf32, #tpu.memory_space<vmem>>, vector<64x64xf32>
    %dot_general3A_85 = arith.constant dense<0.000000e+00> : vector<10000x64xf32>
    %dot_general3A_86 = tpu.matmul %add3A_74, %get3A_84, %dot_general3A_85 {dimension_numbers = #tpu.dot_dimension_numbers<[1], [1], [0], [0], [0, 0, 1, 0], [], []>, transpose_lhs_hint = false} : vector<10000x64xf32>, vector<64x64xf32>, vector<10000x64xf32> -> vector<10000x64xf32>
    %swap3A_87 = arith.constant 0 : index
    %swap3A_88 = arith.constant 0 : index
    %swap3A_89 = vector.load %arg10[%swap3A_87, %swap3A_88] : memref<10000x64xf32, #tpu.memory_space<vmem>>, vector<10000x64xf32>
    tpu.vector_store %arg10[%swap3A_87, %swap3A_88], %dot_general3A_86 {strides = array<i32>} : memref<10000x64xf32, #tpu.memory_space<vmem>>, vector<10000x64xf32>,
    return
  }
}

module attributes {stable_mosaic.version = 14 : i64} {
  func.func @_tc_mid_body(%arg0: memref<10000x64xf32, #tpu.memory_space<vmem>>, %arg1: memref<2x10240x64xf32, #tpu.memory_space<vmem>>, %arg2: memref<10000x1xf32, #tpu.memory_space<vmem>>, %arg3: memref<1x64xf32, #tpu.memory_space<vmem>>, %arg4: memref<1x64xf32, #tpu.memory_space<vmem>>, %arg5: memref<1x64xf32, #tpu.memory_space<vmem>>, %arg6: memref<1x64xf32, #tpu.memory_space<vmem>>, %arg7: memref<64x64xf32, #tpu.memory_space<vmem>>, %arg8: memref<64x64xf32, #tpu.memory_space<vmem>>, %arg9: memref<10000x64xf32, #tpu.memory_space<vmem>>, %arg10: memref<10000x64xf32, #tpu.memory_space<vmem>>) attributes {dimension_semantics = [], scalar_prefetch = 0 : i64, scratch_operands = 0 : i64, tpu.core_type = #tpu.core_type<tc>} {
    %get3A = arith.constant 0 : index
    %get3A_0 = arith.constant 0 : index
    %get3A_1 = vector.load %arg0[%get3A, %get3A_0] : memref<10000x64xf32, #tpu.memory_space<vmem>>, vector<10000x64xf32>
    %get3A_2 = arith.constant 0 : index
    %get3A_3 = arith.constant 0 : index
    %get3A_4 = vector.load %arg2[%get3A_2, %get3A_3] : memref<10000x1xf32, #tpu.memory_space<vmem>>, vector<10000x1xf32>
    %get3A_5 = arith.constant 0 : index
    %get3A_6 = arith.constant 0 : index
    %get3A_7 = vector.load %arg3[%get3A_5, %get3A_6] : memref<1x64xf32, #tpu.memory_space<vmem>>, vector<1x64xf32>
    %get3A_8 = arith.constant 0 : index
    %get3A_9 = arith.constant 0 : index
    %get3A_10 = vector.load %arg4[%get3A_8, %get3A_9] : memref<1x64xf32, #tpu.memory_space<vmem>>, vector<1x64xf32>
    %get3A_11 = arith.constant 0 : index
    %get3A_12 = arith.constant 0 : index
    %get3A_13 = vector.load %arg5[%get3A_11, %get3A_12] : memref<1x64xf32, #tpu.memory_space<vmem>>, vector<1x64xf32>
    %get3A_14 = arith.constant 0 : index
    %get3A_15 = arith.constant 0 : index
    %get3A_16 = vector.load %arg6[%get3A_14, %get3A_15] : memref<1x64xf32, #tpu.memory_space<vmem>>, vector<1x64xf32>
    %get3A_17 = arith.constant 0 : index
    %get3A_18 = arith.constant 0 : index
    %get3A_19 = arith.constant 0 : index
    %get3A_20 = vector.load %arg1[%get3A_17, %get3A_18, %get3A_19] : memref<2x10240x64xf32, #tpu.memory_space<vmem>>, vector<1x10000x64xf32>
    %get3A_21 = vector.shape_cast %get3A_20 : vector<1x10000x64xf32> to vector<10000x64xf32>
    %get3A_22 = arith.constant 1 : index
    %get3A_23 = arith.constant 0 : index
    %get3A_24 = arith.constant 0 : index
    %get3A_25 = vector.load %arg1[%get3A_22, %get3A_23, %get3A_24] : memref<2x10240x64xf32, #tpu.memory_space<vmem>>, vector<1x10000x64xf32>
    %get3A_26 = vector.shape_cast %get3A_25 : vector<1x10000x64xf32> to vector<10000x64xf32>
    %add3A = arith.addf %get3A_21, %get3A_26 : vector<10000x64xf32>
    %mul3A = vector.broadcast %get3A_4 : vector<10000x1xf32> to vector<10000x64xf32>
    %mul3A_27 = arith.mulf %add3A, %mul3A : vector<10000x64xf32>
    %add3A_28 = vector.broadcast %get3A_7 : vector<1x64xf32> to vector<10000x64xf32>
    %add3A_29 = arith.addf %get3A_1, %add3A_28 : vector<10000x64xf32>
    %add3A_30 = arith.addf %add3A_29, %mul3A_27 : vector<10000x64xf32>
    %add3A_31 = vector.broadcast %get3A_10 : vector<1x64xf32> to vector<10000x64xf32>
    %add3A_32 = arith.addf %add3A_30, %add3A_31 : vector<10000x64xf32>
    %max3A = arith.constant 0.000000e+00 : f32
    %max3A_33 = vector.broadcast %max3A : f32 to vector<10000x64xf32>
    %max3A_34 = arith.maximumf %add3A_32, %max3A_33 : vector<10000x64xf32>
    %reduce_sum3A = arith.constant dense<0.000000e+00> : vector<10000xf32>
    %reduce_sum3A_35 = vector.multi_reduction <add>, %max3A_34, %reduce_sum3A [1] : vector<10000x64xf32> to vector<10000xf32>
    %broadcast_in_dim3A = vector.shape_cast %reduce_sum3A_35 : vector<10000xf32> to vector<10000x1xf32>
    %div3A = arith.constant 6.400000e+01 : f32
    %div3A_36 = vector.broadcast %div3A : f32 to vector<10000x1xf32>
    %div3A_37 = arith.divf %broadcast_in_dim3A, %div3A_36 : vector<10000x1xf32>
    %sub3A = vector.broadcast %div3A_37 : vector<10000x1xf32> to vector<10000x64xf32>
    %sub3A_38 = arith.subf %max3A_34, %sub3A : vector<10000x64xf32>
    %sub3A_39 = vector.broadcast %div3A_37 : vector<10000x1xf32> to vector<10000x64xf32>
    %sub3A_40 = arith.subf %max3A_34, %sub3A_39 : vector<10000x64xf32>
    %mul3A_41 = arith.mulf %sub3A_38, %sub3A_40 : vector<10000x64xf32>
    %reduce_sum3A_42 = arith.constant dense<0.000000e+00> : vector<10000xf32>
    %reduce_sum3A_43 = vector.multi_reduction <add>, %mul3A_41, %reduce_sum3A_42 [1] : vector<10000x64xf32> to vector<10000xf32>
    %broadcast_in_dim3A_44 = vector.shape_cast %reduce_sum3A_43 : vector<10000xf32> to vector<10000x1xf32>
    %div3A_45 = arith.constant 6.400000e+01 : f32
    %div3A_46 = vector.broadcast %div3A_45 : f32 to vector<10000x1xf32>
    %div3A_47 = arith.divf %broadcast_in_dim3A_44, %div3A_46 : vector<10000x1xf32>
    %sub3A_48 = vector.broadcast %div3A_37 : vector<10000x1xf32> to vector<10000x64xf32>
    %sub3A_49 = arith.subf %max3A_34, %sub3A_48 : vector<10000x64xf32>
    %add3A_50 = arith.constant 9.99999974E-6 : f32
    %add3A_51 = vector.broadcast %add3A_50 : f32 to vector<10000x1xf32>
    %add3A_52 = arith.addf %div3A_47, %add3A_51 : vector<10000x1xf32>
    %rsqrt3A = math.rsqrt %add3A_52 : vector<10000x1xf32>
    %mul3A_53 = vector.broadcast %rsqrt3A : vector<10000x1xf32> to vector<10000x64xf32>
    %mul3A_54 = arith.mulf %sub3A_49, %mul3A_53 : vector<10000x64xf32>
    %mul3A_55 = vector.broadcast %get3A_13 : vector<1x64xf32> to vector<10000x64xf32>
    %mul3A_56 = arith.mulf %mul3A_54, %mul3A_55 : vector<10000x64xf32>
    %add3A_57 = vector.broadcast %get3A_16 : vector<1x64xf32> to vector<10000x64xf32>
    %add3A_58 = arith.addf %mul3A_56, %add3A_57 : vector<10000x64xf32>
    %get3A_59 = arith.constant 0 : index
    %get3A_60 = arith.constant 0 : index
    %get3A_61 = vector.load %arg7[%get3A_59, %get3A_60] : memref<64x64xf32, #tpu.memory_space<vmem>>, vector<64x64xf32>
    %dot_general3A = arith.constant dense<0.000000e+00> : vector<10000x64xf32>
    %dot_general3A_62 = tpu.matmul %add3A_58, %get3A_61, %dot_general3A {dimension_numbers = #tpu.dot_dimension_numbers<[1], [1], [0], [0], [0, 0, 1, 0], [], []>, transpose_lhs_hint = false} : vector<10000x64xf32>, vector<64x64xf32>, vector<10000x64xf32> -> vector<10000x64xf32>
    %swap3A = arith.constant 0 : index
    %swap3A_63 = arith.constant 0 : index
    %swap3A_64 = vector.load %arg9[%swap3A, %swap3A_63] : memref<10000x64xf32, #tpu.memory_space<vmem>>, vector<10000x64xf32>
    tpu.vector_store %arg9[%swap3A, %swap3A_63], %dot_general3A_62 {strides = array<i32>} : memref<10000x64xf32, #tpu.memory_space<vmem>>, vector<10000x64xf32>,
    %get3A_65 = arith.constant 0 : index
    %get3A_66 = arith.constant 0 : index
    %get3A_67 = vector.load %arg8[%get3A_65, %get3A_66] : memref<64x64xf32, #tpu.memory_space<vmem>>, vector<64x64xf32>
    %dot_general3A_68 = arith.constant dense<0.000000e+00> : vector<10000x64xf32>
    %dot_general3A_69 = tpu.matmul %add3A_58, %get3A_67, %dot_general3A_68 {dimension_numbers = #tpu.dot_dimension_numbers<[1], [1], [0], [0], [0, 0, 1, 0], [], []>, transpose_lhs_hint = false} : vector<10000x64xf32>, vector<64x64xf32>, vector<10000x64xf32> -> vector<10000x64xf32>
    %swap3A_70 = arith.constant 0 : index
    %swap3A_71 = arith.constant 0 : index
    %swap3A_72 = vector.load %arg10[%swap3A_70, %swap3A_71] : memref<10000x64xf32, #tpu.memory_space<vmem>>, vector<10000x64xf32>
    tpu.vector_store %arg10[%swap3A_70, %swap3A_71], %dot_general3A_69 {strides = array<i32>} : memref<10000x64xf32, #tpu.memory_space<vmem>>, vector<10000x64xf32>,
    return
  }
}

module attributes {stable_mosaic.version = 14 : i64} {
  func.func @_tc_final_body(%arg0: memref<10000x64xf32, #tpu.memory_space<vmem>>, %arg1: memref<2x10240x64xf32, #tpu.memory_space<vmem>>, %arg2: memref<10000x1xf32, #tpu.memory_space<vmem>>, %arg3: memref<1x64xf32, #tpu.memory_space<vmem>>, %arg4: memref<1x64xf32, #tpu.memory_space<vmem>>, %arg5: memref<1x64xf32, #tpu.memory_space<vmem>>, %arg6: memref<1x64xf32, #tpu.memory_space<vmem>>, %arg7: memref<32x64xf32, #tpu.memory_space<vmem>>, %arg8: memref<1x32xf32, #tpu.memory_space<vmem>>, %arg9: memref<1x32xf32, #tpu.memory_space<vmem>>, %arg10: memref<1x1xf32, #tpu.memory_space<vmem>>, %arg11: memref<10000x1xf32, #tpu.memory_space<vmem>>) attributes {dimension_semantics = [], scalar_prefetch = 0 : i64, scratch_operands = 0 : i64, tpu.core_type = #tpu.core_type<tc>} {
    %get3A = arith.constant 0 : index
    %get3A_0 = arith.constant 0 : index
    %get3A_1 = vector.load %arg0[%get3A, %get3A_0] : memref<10000x64xf32, #tpu.memory_space<vmem>>, vector<10000x64xf32>
    %get3A_2 = arith.constant 0 : index
    %get3A_3 = arith.constant 0 : index
    %get3A_4 = vector.load %arg2[%get3A_2, %get3A_3] : memref<10000x1xf32, #tpu.memory_space<vmem>>, vector<10000x1xf32>
    %get3A_5 = arith.constant 0 : index
    %get3A_6 = arith.constant 0 : index
    %get3A_7 = vector.load %arg3[%get3A_5, %get3A_6] : memref<1x64xf32, #tpu.memory_space<vmem>>, vector<1x64xf32>
    %get3A_8 = arith.constant 0 : index
    %get3A_9 = arith.constant 0 : index
    %get3A_10 = vector.load %arg4[%get3A_8, %get3A_9] : memref<1x64xf32, #tpu.memory_space<vmem>>, vector<1x64xf32>
    %get3A_11 = arith.constant 0 : index
    %get3A_12 = arith.constant 0 : index
    %get3A_13 = vector.load %arg5[%get3A_11, %get3A_12] : memref<1x64xf32, #tpu.memory_space<vmem>>, vector<1x64xf32>
    %get3A_14 = arith.constant 0 : index
    %get3A_15 = arith.constant 0 : index
    %get3A_16 = vector.load %arg6[%get3A_14, %get3A_15] : memref<1x64xf32, #tpu.memory_space<vmem>>, vector<1x64xf32>
    %get3A_17 = arith.constant 0 : index
    %get3A_18 = arith.constant 0 : index
    %get3A_19 = arith.constant 0 : index
    %get3A_20 = vector.load %arg1[%get3A_17, %get3A_18, %get3A_19] : memref<2x10240x64xf32, #tpu.memory_space<vmem>>, vector<1x10000x64xf32>
    %get3A_21 = vector.shape_cast %get3A_20 : vector<1x10000x64xf32> to vector<10000x64xf32>
    %get3A_22 = arith.constant 1 : index
    %get3A_23 = arith.constant 0 : index
    %get3A_24 = arith.constant 0 : index
    %get3A_25 = vector.load %arg1[%get3A_22, %get3A_23, %get3A_24] : memref<2x10240x64xf32, #tpu.memory_space<vmem>>, vector<1x10000x64xf32>
    %get3A_26 = vector.shape_cast %get3A_25 : vector<1x10000x64xf32> to vector<10000x64xf32>
    %add3A = arith.addf %get3A_21, %get3A_26 : vector<10000x64xf32>
    %mul3A = vector.broadcast %get3A_4 : vector<10000x1xf32> to vector<10000x64xf32>
    %mul3A_27 = arith.mulf %add3A, %mul3A : vector<10000x64xf32>
    %add3A_28 = vector.broadcast %get3A_7 : vector<1x64xf32> to vector<10000x64xf32>
    %add3A_29 = arith.addf %get3A_1, %add3A_28 : vector<10000x64xf32>
    %add3A_30 = arith.addf %add3A_29, %mul3A_27 : vector<10000x64xf32>
    %add3A_31 = vector.broadcast %get3A_10 : vector<1x64xf32> to vector<10000x64xf32>
    %add3A_32 = arith.addf %add3A_30, %add3A_31 : vector<10000x64xf32>
    %max3A = arith.constant 0.000000e+00 : f32
    %max3A_33 = vector.broadcast %max3A : f32 to vector<10000x64xf32>
    %max3A_34 = arith.maximumf %add3A_32, %max3A_33 : vector<10000x64xf32>
    %reduce_sum3A = arith.constant dense<0.000000e+00> : vector<10000xf32>
    %reduce_sum3A_35 = vector.multi_reduction <add>, %max3A_34, %reduce_sum3A [1] : vector<10000x64xf32> to vector<10000xf32>
    %broadcast_in_dim3A = vector.shape_cast %reduce_sum3A_35 : vector<10000xf32> to vector<10000x1xf32>
    %div3A = arith.constant 6.400000e+01 : f32
    %div3A_36 = vector.broadcast %div3A : f32 to vector<10000x1xf32>
    %div3A_37 = arith.divf %broadcast_in_dim3A, %div3A_36 : vector<10000x1xf32>
    %sub3A = vector.broadcast %div3A_37 : vector<10000x1xf32> to vector<10000x64xf32>
    %sub3A_38 = arith.subf %max3A_34, %sub3A : vector<10000x64xf32>
    %sub3A_39 = vector.broadcast %div3A_37 : vector<10000x1xf32> to vector<10000x64xf32>
    %sub3A_40 = arith.subf %max3A_34, %sub3A_39 : vector<10000x64xf32>
    %mul3A_41 = arith.mulf %sub3A_38, %sub3A_40 : vector<10000x64xf32>
    %reduce_sum3A_42 = arith.constant dense<0.000000e+00> : vector<10000xf32>
    %reduce_sum3A_43 = vector.multi_reduction <add>, %mul3A_41, %reduce_sum3A_42 [1] : vector<10000x64xf32> to vector<10000xf32>
    %broadcast_in_dim3A_44 = vector.shape_cast %reduce_sum3A_43 : vector<10000xf32> to vector<10000x1xf32>
    %div3A_45 = arith.constant 6.400000e+01 : f32
    %div3A_46 = vector.broadcast %div3A_45 : f32 to vector<10000x1xf32>
    %div3A_47 = arith.divf %broadcast_in_dim3A_44, %div3A_46 : vector<10000x1xf32>
    %sub3A_48 = vector.broadcast %div3A_37 : vector<10000x1xf32> to vector<10000x64xf32>
    %sub3A_49 = arith.subf %max3A_34, %sub3A_48 : vector<10000x64xf32>
    %add3A_50 = arith.constant 9.99999974E-6 : f32
    %add3A_51 = vector.broadcast %add3A_50 : f32 to vector<10000x1xf32>
    %add3A_52 = arith.addf %div3A_47, %add3A_51 : vector<10000x1xf32>
    %rsqrt3A = math.rsqrt %add3A_52 : vector<10000x1xf32>
    %mul3A_53 = vector.broadcast %rsqrt3A : vector<10000x1xf32> to vector<10000x64xf32>
    %mul3A_54 = arith.mulf %sub3A_49, %mul3A_53 : vector<10000x64xf32>
    %mul3A_55 = vector.broadcast %get3A_13 : vector<1x64xf32> to vector<10000x64xf32>
    %mul3A_56 = arith.mulf %mul3A_54, %mul3A_55 : vector<10000x64xf32>
    %add3A_57 = vector.broadcast %get3A_16 : vector<1x64xf32> to vector<10000x64xf32>
    %add3A_58 = arith.addf %mul3A_56, %add3A_57 : vector<10000x64xf32>
    %get3A_59 = arith.constant 0 : index
    %get3A_60 = arith.constant 0 : index
    %get3A_61 = vector.load %arg7[%get3A_59, %get3A_60] : memref<32x64xf32, #tpu.memory_space<vmem>>, vector<32x64xf32>
    %dot_general3A = arith.constant dense<0.000000e+00> : vector<10000x32xf32>
    %dot_general3A_62 = tpu.matmul %add3A_58, %get3A_61, %dot_general3A {dimension_numbers = #tpu.dot_dimension_numbers<[1], [1], [0], [0], [0, 0, 1, 0], [], []>, transpose_lhs_hint = false} : vector<10000x64xf32>, vector<32x64xf32>, vector<10000x32xf32> -> vector<10000x32xf32>
    %get3A_63 = arith.constant 0 : index
    %get3A_64 = arith.constant 0 : index
    %get3A_65 = vector.load %arg8[%get3A_63, %get3A_64] : memref<1x32xf32, #tpu.memory_space<vmem>>, vector<1x32xf32>
    %add3A_66 = vector.broadcast %get3A_65 : vector<1x32xf32> to vector<10000x32xf32>
    %add3A_67 = arith.addf %dot_general3A_62, %add3A_66 : vector<10000x32xf32>
    %max3A_68 = arith.constant 0.000000e+00 : f32
    %max3A_69 = vector.broadcast %max3A_68 : f32 to vector<10000x32xf32>
    %max3A_70 = arith.maximumf %add3A_67, %max3A_69 : vector<10000x32xf32>
    %get3A_71 = arith.constant 0 : index
    %get3A_72 = arith.constant 0 : index
    %get3A_73 = vector.load %arg9[%get3A_71, %get3A_72] : memref<1x32xf32, #tpu.memory_space<vmem>>, vector<1x32xf32>
    %mul3A_74 = vector.broadcast %get3A_73 : vector<1x32xf32> to vector<10000x32xf32>
    %mul3A_75 = arith.mulf %max3A_70, %mul3A_74 : vector<10000x32xf32>
    %reduce_sum3A_76 = arith.constant dense<0.000000e+00> : vector<10000xf32>
    %reduce_sum3A_77 = vector.multi_reduction <add>, %mul3A_75, %reduce_sum3A_76 [1] : vector<10000x32xf32> to vector<10000xf32>
    %broadcast_in_dim3A_78 = vector.shape_cast %reduce_sum3A_77 : vector<10000xf32> to vector<10000x1xf32>
    %get3A_79 = arith.constant 0 : index
    %get3A_80 = arith.constant 0 : index
    %get3A_81 = vector.load %arg10[%get3A_79, %get3A_80] : memref<1x1xf32, #tpu.memory_space<vmem>>, vector<1x1xf32>
    %get3A_82 = vector.extract %get3A_81[0, 0] : f32 from vector<1x1xf32>
    %add3A_83 = vector.broadcast %get3A_82 : f32 to vector<10000x1xf32>
    %add3A_84 = arith.addf %broadcast_in_dim3A_78, %add3A_83 : vector<10000x1xf32>
    %swap3A = arith.constant 0 : index
    %swap3A_85 = arith.constant 0 : index
    %swap3A_86 = vector.load %arg11[%swap3A, %swap3A_85] : memref<10000x1xf32, #tpu.memory_space<vmem>>, vector<10000x1xf32>
    tpu.vector_store %arg11[%swap3A, %swap3A_85], %add3A_84 {strides = array<i32>} : memref<10000x1xf32, #tpu.memory_space<vmem>>, vector<10000x1xf32>,
    return
  }
}

</mosaic_0001>

<sc_bundles>
// kernel: kernel.12.cloned.1.call-start
scs
__scs_entry_jumppad:
0x0: {  	(pc) =	sbr.rel $0x88, $3  }
0x1: {  	(tag) =	ssettag $0x0;
	lr =	simm.s32 $0x1  }
0x2: {  	[smem:$0x3F89] =	sst lr;
	_ =	strace $0xD0000000  }
0x3: {  	_ = 	snop  }
0x4: {  	_ = 	snop  }
0x5: {  	_ = 	snop  }
0x6: {  	_ = 	snop  }
0x7: {  	_ = 	snop  }
__scs_overlays_trampoline_lowered:
0x8: {  	[smem:$0x3F98] =	sst s0  }
0x9: {  	[smem:$0x3F99] =	sst s1  }
0xa: {  	[smem:$0x3F9A] =	sst s2  }
0xb: {  	[smem:$0x3F9B] =	sst s3  }
0xc: {  	[smem:$0x3F9C] =	sst s4  }
0xd: {  	[smem:$0x3F9D] =	sst s5  }
0xe: {  	[smem:$0x3F9E] =	sst s6  }
0xf: {  	[smem:$0x3F9F] =	sst s7  }
0x10: {  	[smem:$0x3FA0] =	sst s8  }
0x11: {  	[smem:$0x3FA1] =	sst s9;
	s0 =	simm.s32 @!p0 $0x0  }
0x12: {  	s1 =	sld [smem:$0x3F87];
	s0 =	simm.s32 @p0 $0x1  }
0x13: {  	[smem:$0x3FA2] =	sst s0;
	s0 =	simm.s32 @!p1 $0x0  }
0x14: {  	s2 =	sld [smem:$0x3F86];
	s0 =	simm.s32 @p1 $0x1  }
0x15: {  	[smem:$0x3FA3] =	sst s0;
	s0 =	simm.s32 @!p2 $0x0  }
0x16: {  	s3 =	sld [smem:$0x3FDB];
	s0 =	simm.s32 @p2 $0x1  }
0x17: {  	s4 =	simm.s32 $0x1BF5;
	[smem:$0x3FA5] =	sst s0  }
0x18: {  	s0 =	sld [smem:$0x3F88];
	_ =	swait.ge [sflag:s4], $0x0  }
0x19: {  	s7 =	sld [smem:$0x3F89]  }
0x1a: {  	s8 =	sadd.s32 $0xFFFFE003, lr  }
0x1b: {  	s9 =	sadd.s32 $0xFFFFFEF7, lr;
	s5 =	simm.s32 $0xFFFFFFFF;
	p2 =	slt.u32 s8, $0xFFFFF086  }
0x1c: {  	p1 =	slt.u32 s9, $0xF7A;
	s5 =	simm.s32 @!p2 $0x0  }
0x1d: {  	s5 =	simm.s32 @p1 $0x1;
	p0 =	seq.s32 s7, s2  }
0x1e: {  	s7 =	smul.u32 @!p0 $0xF7A, s2;
	p2 =	seq.s32 @!p0 s5, $0x0  }
0x1f: {  	s9 =	smul.u32 $0xF7A, s1;
	s8 =	simm.s32 @!p0 $0x1BF5;
	p2 =	por !p2, p0  }
0x20: {  	[sflag:s8] =	ssyncset.s32 @!p0 $0xFFFFF086;
	s6 =	sadd.s32 @!p0 s3, s7;
	s7 =	simm.s32 @!p0 $0x108  }
0x21: {  	s3 =	sadd.s32 s3, s9;
	s6 =	sadd.s32 @!p0 $0x88, s6;
	s7 =	simm.s32 @p2 $0x1082  }
0x22: {  	[simem:s7], [sflag:s8] =	dma.local @!p0 [hbm:s6], $0xF7A  }
0x23: {  	s9 =	sor.u32 $0xD0000000, s2;
	s6 =	simm.s32 $0x108;
	_ =	swait.ge @!p0 [sflag:s8], $0x0  }
0x24: {  	s3 =	sadd.s32 $0x88, s3;
	s6 =	simm.s32 @!p1 $0x1082;
	[sflag:s4] =	ssyncset.s32 $0xFFFFF086  }
0x25: {  	[simem:s6], [sflag:s4] =	dma.local [hbm:s3], $0xF7A  }
0x26: {  	[smem:$0x3F89] =	sst s1;
	(tag) =	ssettag s2;
	_ =	strace s9  }
0x27: {  	s1 =	sld [smem:$0x3F99]  }
0x28: {  	s2 =	sld [smem:$0x3F9A]  }
0x29: {  	s4 =	sld [smem:$0x3F9C]  }
0x2a: {  	p0 =	seq.s32 s5, $0x0;
	s5 =	sld [smem:$0x3F9D]  }
0x2b: {  	s6 =	sld [smem:$0x3F9E]  }
0x2c: {  	s7 =	sld [smem:$0x3F9F]  }
0x2d: {  	s3 =	simm.s32 $0x108;
	s8 =	sld [smem:$0x3FA0]  }
0x2e: {  	s3 =	simm.s32 @!p0 $0x1082;
	s9 =	sld [smem:$0x3FA1]  }
0x2f: {  	lr =	sadd.s32 s0, s3;
	s0 =	sld [smem:$0x3F98]  }
0x30: {  	s3 =	sld [smem:$0x3F9B]  }
0x31: {  	[smem:$0x3FA4] =	sst s10  }
0x32: {  	s10 =	sld [smem:$0x3FA2];
	_ =	sdelay $0x3  }
0x33: {  	p0 =	seq.s32 s10, $0x1;
	s10 =	sld [smem:$0x3FA4];
	_ =	sdelay $0x3  }
0x34: {  	[smem:$0x3FA4] =	sst s10  }
0x35: {  	s10 =	sld [smem:$0x3FA3];
	_ =	sdelay $0x3  }
0x36: {  	p1 =	seq.s32 s10, $0x1;
	s10 =	sld [smem:$0x3FA4];
	_ =	sdelay $0x3  }
0x37: {  	[smem:$0x3FA4] =	sst s10  }
0x38: {  	s10 =	sld [smem:$0x3FA5]  }
0x39: {  	_ = 	snop;
	(pc) =	sbr.ind lr, $3  }
0x3a: {  	_ = 	snop  }
0x3b: {  	_ = 	snop  }
0x3c: {  	p2 =	seq.s32 s10, $0x1;
	s10 =	sld [smem:$0x3FA4]  }
0x3d: {  	_ =	shalt  }
0x3e: {  	_ =	shalt  }
0x3f: {  	_ =	shalt  }
0x40: {  	_ =	shalt  }
0x41: {  	_ =	shalt  }
0x42: {  	_ =	shalt  }
0x43: {  	_ =	shalt  }
0x44: {  	_ =	shalt  }
0x45: {  	_ =	shalt  }
0x46: {  	_ =	shalt  }
0x47: {  	_ =	shalt  }
0x48: {  	_ =	shalt  }
0x49: {  	_ =	shalt  }
0x4a: {  	_ =	shalt  }
0x4b: {  	_ =	shalt  }
0x4c: {  	_ =	shalt  }
0x4d: {  	_ =	shalt  }
0x4e: {  	_ =	shalt  }
0x4f: {  	_ =	shalt  }
0x50: {  	_ =	shalt  }
0x51: {  	_ =	shalt  }
0x52: {  	_ =	shalt  }
0x53: {  	_ =	shalt  }
0x54: {  	_ =	shalt  }
0x55: {  	_ =	shalt  }
0x56: {  	_ =	shalt  }
0x57: {  	_ =	shalt  }
0x58: {  	_ =	shalt  }
0x59: {  	_ =	shalt  }
0x5a: {  	_ =	shalt  }
0x5b: {  	_ =	shalt  }
0x5c: {  	_ =	shalt  }
0x5d: {  	_ =	shalt  }
0x5e: {  	_ =	shalt  }
0x5f: {  	_ =	shalt  }
0x60: {  	_ =	shalt  }
0x61: {  	_ =	shalt  }
0x62: {  	_ =	shalt  }
0x63: {  	_ =	shalt  }
0x64: {  	_ =	shalt  }
0x65: {  	_ =	shalt  }
0x66: {  	_ =	shalt  }
0x67: {  	_ =	shalt  }
0x68: {  	_ =	shalt  }
0x69: {  	_ =	shalt  }
0x6a: {  	_ =	shalt  }
0x6b: {  	_ =	shalt  }
0x6c: {  	_ =	shalt  }
0x6d: {  	_ =	shalt  }
0x6e: {  	_ =	shalt  }
0x6f: {  	_ =	shalt  }
0x70: {  	_ =	shalt  }
0x71: {  	_ =	shalt  }
0x72: {  	_ =	shalt  }
0x73: {  	_ =	shalt  }
0x74: {  	_ =	shalt  }
0x75: {  	_ =	shalt  }
0x76: {  	_ =	shalt  }
0x77: {  	_ =	shalt  }
0x78: {  	_ =	shalt  }
0x79: {  	_ =	shalt  }
0x7a: {  	_ =	shalt  }
0x7b: {  	_ =	shalt  }
0x7c: {  	_ =	shalt  }
0x7d: {  	_ =	shalt  }
0x7e: {  	_ =	shalt  }
0x7f: {  	_ =	shalt  }
0x80: {  	_ =	shalt  }
0x81: {  	_ =	shalt  }
0x82: {  	_ =	shalt  }
0x83: {  	_ =	shalt  }
0x84: {  	_ =	shalt  }
0x85: {  	_ =	shalt  }
0x86: {  	_ =	shalt  }
0x87: {  	_ =	shalt  }
.Lfunc_end0:
.L_simem_size_0:
called_computation.1_lowered:
.L_overlay_start_0:
0x88: {  	s2 =	sld [smem:$0x3FD9]  }
0x89: {  	s3 =	sld [smem:$0x3FFE];
	_ =	sdelay $0x1  }
0x8a: {  	s1 =	srdreg.scid  }
0x8b: {  	s0 =	sand.u32 $0x1, s1  }
0x8c: {  	s16 =	sshll.u32 s0, $0xA;
	s2 =	sadd.s32 s3, s2  }
0x8d: {  	s2 =	sadd.s32 s2, s16  }
0x8e: {  	[smem:$0x3FB0] =	sst s2  }
0x8f: {  	_ = 	snop  }
0x90: {  	(tm) =	ssettm $0x1  }
0x91: {  	s17 =	sld [smem:$0x3FFB];
	_ =	sdelay $0x3  }
0x92: {  	_ =	strace s17  }
0x93: {  	s2 =	sld [smem:$0x3FFC];
	_ =	sdelay $0x3  }
0x94: {  	_ =	strace s2  }
0x95: {  	s2 =	sld [smem:$0x3FFD];
	_ =	sdelay $0x3  }
0x96: {  	_ =	strace s2  }
0x97: {  	_ =	strace $0x8FFFFFFF  }
0x98: {  	s18 =	sld [smem:$0x3FDB];
	_ =	sdelay $0x1  }
0x99: {  	s19 =	simm.s32 $_scs_section_size  }
0x9a: {  	s4 =	simm.s32 $_size__tile_overlayer_lowered;
	s5 =	simm.s32 $_tile_overlayer_lowered  }
0x9b: {  	s22 =	simm.s32 $0x1BFF;
	s21 =	sshll.u32 s5, $0x1;
	s2 =	sadd.s32 s19, s18  }
0x9c: {  	s6 =	simm.s32 $0x0;
	s20 =	sshll.u32 s4, $0x1;
	s4 =	sadd.s32 s21, s2  }
0x9d: {  	[timem:s6], [sflag:s22] =	dma.local [hbm:s4], s20  }
0x9e: {  	_ =	swait.ge [sflag:s22], s20  }
0x9f: {  	s3 =	ssub.s32 $0x0, s20;
	[sflag:s22] =	ssyncset.done $0x0  }
0xa0: {  	[sflag:s22] =	ssyncadd.s32 s3;
	_ =	sdelay $0x1  }
0xa1: {  	s23 =	simm.s32 $0x1B8B  }
0xa2: {  	_ =	swait.ge [sflag:s23], $0x1  }
0xa3: {  	[sflag:s23] =	ssyncset.done $0x0  }
0xa4: {  	s25 =	simm.s32 $0x1B8E;
	s24 =	sld [smem:$0x3FFE];
	[sflag:s23] =	ssyncadd.s32 $0xFFFFFFFF  }
0xa5: {  	s26 =	simm.s32 $execute0_lowered;
	[smem:$0x3FD2] =	sst s25  }
0xa6: {  	s4 =	sshll.u32 s26, $0x1;
	_ =	strace $0x80000049;
	[dreg:$0x1] =	wrdreg $0xFFFFFFFF  }
0xa7: {  	s28 =	simm.s32 $_size_execute0_lowered;
	s2 =	sadd.s32 s2, s4;
	[dreg:$0x0] =	wrdreg $0x0  }
0xa8: {  	s4 =	sshll.u32 s28, $0x1;
	[dreg:$0x2] =	wrdreg s2  }
0xa9: {  	[dreg:$0x3] =	wrdreg s4  }
0xaa: {  	[dreg:$0x4] =	wrdreg $0xC0  }
0xab: {  	_ =	task [dreg:s6], $0x5FFFF  }
0xac: {  	[dreg:$0x1] =	wrdreg $0xFFFFFFFF  }
0xad: {  	[dreg:$0x0] =	wrdreg $0x60  }
0xae: {  	[dreg:$0x2] =	wrdreg s24  }
0xaf: {  	[dreg:$0x3] =	wrdreg $0x0  }
0xb0: {  	[dreg:$0x4] =	wrdreg $0x9  }
0xb1: {  	_ =	task.clear_ibuf [dreg:s6], $0x5FFFF;
	_ =	strace $0x90000049  }
0xb2: {  	s29 =	simm.s32 $0x9;
	_ =	strace $0x8000004B  }
0xb3: {  	_ =	swait.ge [sflag:s29], $0x1  }
0xb4: {  	[sflag:s29] =	ssyncadd.s32 $0xFFFFFFFF  }
0xb5: {  	_ =	strace $0x9000004B  }
0xb6: {  	_ =	sfence  }
0xb7: {  	s30 =	sld [smem:$0x0];
	_ =	sdelay $0x2  }
0xb8: {  	s31 =	sshll.u32 s1, $0xD;
	s1 =	sshrl.u32 s1, $0x2  }
0xb9: {  	s3 =	sand.u32 $0x4000, s31;
	s1 =	sadd.s32 s1, s30  }
0xba: {  	s0 =	sor.u32 s3, s0;
	s1 =	sshll.u32 s1, $0x11  }
0xbb: {  	s0 =	sor.u32 s1, s0  }
0xbc: {  	s0 =	sadd.s32 $0x8F2B, s0  }
0xbd: {  	[sflag:s0] =	ssyncadd.remote.s32 $0x1  }
0xbe: {  	_ =	sfence.sel $0xFFFF  }
0xbf: {  	[dreg:$0x0] =	wrdreg $0xFFFFFFFF;
	(pc) =	sbr.abs _section_cstart, $3  }
0xc0: {  	[dreg:$0x1] =	wrdreg $0xFFFFFFFF  }
0xc1: {  	_ =	task.clear_ibuf [dreg:s6], $0x2FFFF;
	_ =	strace $0x9FFFFFFF  }
0xc2: {  	(tm) =	ssettm $0x7FFFFFFF  }
0xc3: {  	_ =	shalt  }
tec
execute0_lowered:
.L_overlay_start_1:
0x0: {  	(tag) =	ssettag $0x1  }
0x1: {  	s1 =	srdreg.scid  }
0x2: {  	s0 =	stileid.u32;
	s6 =	rddreg [dreg:$0x0]  }
0x3: {  	s2 =	rddreg [dreg:$0x1];
	s3 =	simm.s32 $0x0;
	s14 =	simm.s32 $0xC800  }
0x4: {  	s15 =	simm.s32 $0x50;
	s16 =	simm.s32 $0xF000;
	s17 =	simm.s32 $0xC850  }
0x5: {  	s18 =	simm.s32 $0x10400;
	s19 =	simm.s32 $0x1;
	s20 =	simm.s32 $0x2  }
0x6: {  	s21 =	simm.s32 $0xC760;
	s22 =	simm.s32 $0xC7B0;
	s23 =	simm.s32 $0x0  }
0x7: {  	s5 =	sand.u32 $0x1, s1;
	s28 =	sshll.u32 s0, $0x1;
	s8 =	smul.u32 $0xA000, s0  }
0x8: {  	[smem:$0x7FF] =	sst s3;
	s4 =	sadd.s32 $0x17C00, s6;
	s31 =	sshll.u32 s0, $0x6  }
0x9: {  	s1 =	sor.u32 s5, s28;
	s9 =	smul.u32 $0xA0000, s5;
	s5 =	ssub.s32 $0x2, s5  }
0xa: {  	s7 =	smul.u32 $0x500, s1;
	s1 =	rddreg [dreg:$0x2];
	_ =	strace $0x8000004A  }
0xb: {  	s30 =	sshrl.u32 s8, $0x3;
	s11 =	sshrl.u32 s5, $0x1;
	s13 =	sadd.s32 s8, s2  }
0xc: {  	s29 =	sadd.s32 s8, s9;
	s9 =	sadd.s32 s30, s6;
	s11 =	ssub.s32 s5, s11  }
0xd: {  	s10 =	sadd.s32 s7, s6;
	s7 =	sshrl.u32 s29, $0x3;
	s5 =	sadd.s32 $0x2B600, s9  }
0xe: {  	s12 =	sadd.s32 s7, s6;
	s6 =	sor.u32 $0x1C03, s31;
	s7 =	sadd.s32 $0x3C00, s10  }
0xf: {  	s8 =	sadd.s32 $0xDC00, s10;
	s10 =	smax.u32 s11, $0x1;
	s11 =	sshrl.u32 s13, $0x3  }
0x10: {  	s13 =	simm.s32 $0xA000;
	s9 =	sadd.s32 $0x44600, s12;
	s12 =	simm.s32 $0x3  }
.LBB2_1:
0x11: {  	[spmem:s11], [sflag:s6] =	dma.local [hbm:s5], $0x1400  }
0x12: {  	_ =	swait.ge [sflag:s12], $0x1400  }
0x13: {  	[sflag:s12] =	ssyncset.done $0x0  }
0x14: {  	[sflag:s12] =	ssyncadd.s32 $0xFFFFEC00  }
0x15: {  	[tilespmem:s13], [sflag:$0x3] =	stream.linear.gather [hbm4b:s7+s3], $0x2800, $0x38;
	[tilespmem:$0x11800] =	vst v63  }
0x16: {  	_ =	swait.ge [sflag:s12], $0x2800  }
0x17: {  	[sflag:s12] =	ssyncset.done $0x0  }
0x18: {  	[sflag:s12] =	ssyncadd.s32 $0xFFFFD800  }
0x19: {  	[tilespmem:s14], [sflag:$0x3] =	stream.linear.gather [hbm4b:s8+s3], $0x2800, $0x38;
	[tilespmem:$0x11800] =	vst v63  }
0x1a: {  	_ =	swait.ge [sflag:s12], $0x2800  }
0x1b: {  	[sflag:s12] =	ssyncset.done $0x0  }
0x1c: {  	[sflag:s12] =	ssyncadd.s32 $0xFFFFD800  }
0x1d: {  	[bflag:$0x0] =	sbarrier.arrive $0xFFFF  }
0x1e: {  	[tilespmem:s16], [sflag:$0x1] =	stream.indirect.gather [hbm4b:s4+s15], $0x40, s14, s15, $0xb8;
	[tilespmem:$0x11800] =	vst v63  }
0x1f: {  	_ = 	snop  }
0x20: {  	[tilespmem:s18], [sflag:$0x2] =	stream.indirect.gather [hbm4b:s4+s15], $0x40, s17, s15, $0xb8;
	[tilespmem:$0x11800] =	vst v63  }
0x21: {  	_ =	swait.ge [sflag:s19], $0x1400  }
0x22: {  	[sflag:s19] =	ssyncset.done $0x0  }
0x23: {  	s24 =	simm.s32 $0xA000;
	[sflag:s19] =	ssyncadd.s32 $0xFFFFEC00  }
0x24: {  	[spmem:s2] =	stream.indirect.scatter.add.f32 [tilespmem:s16], [sflag:$0x3], $0x40, s24, s15, $0xb8;
	[tilespmem:$0x11800] =	vst v63  }
0x25: {  	_ =	swait.ge [sflag:s12], $0x1400  }
0x26: {  	[sflag:s12] =	ssyncset.done $0x0  }
0x27: {  	s30 =	simm.s32 $0xC8A0;
	[sflag:s12] =	ssyncadd.s32 $0xFFFFEC00  }
0x28: {  	[tilespmem:s16], [sflag:$0x1] =	stream.indirect.gather [hbm4b:s4+s15], $0x40, s30, s15, $0xb8;
	[tilespmem:$0x11800] =	vst v63  }
0x29: {  	_ =	swait.ge [sflag:s20], $0x1400  }
0x2a: {  	[sflag:s20] =	ssyncset.done $0x0  }
0x2b: {  	s31 =	simm.s32 $0xA050;
	[sflag:s20] =	ssyncadd.s32 $0xFFFFEC00  }
0x2c: {  	[spmem:s2] =	stream.indirect.scatter.add.f32 [tilespmem:s18], [sflag:$0x3], $0x40, s31, s15, $0xb8;
	[tilespmem:$0x11800] =	vst v63  }
0x2d: {  	_ =	swait.ge [sflag:s12], $0x1400  }
0x2e: {  	[sflag:s12] =	ssyncset.done $0x0  }
0x2f: {  	s25 =	simm.s32 $0xC8F0;
	s24 =	simm.s32 $0x280;
	[sflag:s12] =	ssyncadd.s32 $0xFFFFEC00  }
.LBB2_2:
0x30: {  	[tilespmem:s18], [sflag:$0x2] =	stream.indirect.gather [hbm4b:s4+s15], $0x40, s25, s15, $0xb8;
	[tilespmem:$0x11800] =	vst v63  }
0x31: {  	s25 =	smov.u32 s24  }
0x32: {  	p0 =	sne.s32 s24, $0x9B00;
	s24 =	sadd.s32 $0x280, s24;
	_ =	swait.ge [sflag:s19], $0x1400  }
0x33: {  	s25 =	sshra.s32 s25, $0x2;
	[sflag:s19] =	ssyncset.done $0x0  }
0x34: {  	s26 =	sadd.s32 $0xA000, s25;
	[sflag:s19] =	ssyncadd.s32 $0xFFFFEC00  }
0x35: {  	[spmem:s2] =	stream.indirect.scatter.add.f32 [tilespmem:s16], [sflag:$0x3], $0x40, s26, s15, $0xb8;
	[tilespmem:$0x11800] =	vst v63  }
0x36: {  	_ =	swait.ge [sflag:s12], $0x1400  }
0x37: {  	[sflag:s12] =	ssyncset.done $0x0  }
0x38: {  	s26 =	sadd.s32 $0xC8A0, s25;
	[sflag:s12] =	ssyncadd.s32 $0xFFFFEC00  }
0x39: {  	[tilespmem:s16], [sflag:$0x1] =	stream.indirect.gather [hbm4b:s4+s15], $0x40, s26, s15, $0xb8;
	[tilespmem:$0x11800] =	vst v63  }
0x3a: {  	_ =	swait.ge [sflag:s20], $0x1400  }
0x3b: {  	[sflag:s20] =	ssyncset.done $0x0  }
.Ltmp0:
0x3c: {  	s26 =	sadd.s32 $0xA050, s25;
	[sflag:s20] =	ssyncadd.s32 $0xFFFFEC00;
	(pc) =	sbr.rel @p0 .LBB2_2-.Ltmp0, $4  }
0x3d: {  	[spmem:s2] =	stream.indirect.scatter.add.f32 [tilespmem:s18], [sflag:$0x3], $0x40, s26, s15, $0xb8;
	[tilespmem:$0x11800] =	vst v63  }
0x3e: {  	_ =	swait.ge [sflag:s12], $0x1400  }
0x3f: {  	[sflag:s12] =	ssyncset.done $0x0  }
0x40: {  	s25 =	sadd.s32 $0xC8F0, s25;
	[sflag:s12] =	ssyncadd.s32 $0xFFFFEC00  }
0x41: {  	[tilespmem:s18], [sflag:$0x2] =	stream.indirect.gather [hbm4b:s4+s15], $0x40, s25, s15, $0xb8;
	[tilespmem:$0x11800] =	vst v63  }
0x42: {  	_ =	swait.ge [sflag:s19], $0x1400  }
0x43: {  	[sflag:s19] =	ssyncset.done $0x0  }
0x44: {  	[sflag:s19] =	ssyncadd.s32 $0xFFFFEC00  }
0x45: {  	[spmem:s2] =	stream.indirect.scatter.add.f32 [tilespmem:s16], [sflag:$0x3], $0x40, s21, s15, $0xb8;
	[tilespmem:$0x11800] =	vst v63  }
0x46: {  	_ =	swait.ge [sflag:s12], $0x1400  }
0x47: {  	[sflag:s12] =	ssyncset.done $0x0  }
0x48: {  	[sflag:s12] =	ssyncadd.s32 $0xFFFFEC00  }
0x49: {  	_ =	swait.ge [sflag:s20], $0x1400  }
0x4a: {  	[sflag:s20] =	ssyncset.done $0x0  }
0x4b: {  	[sflag:s20] =	ssyncadd.s32 $0xFFFFEC00  }
0x4c: {  	[spmem:s2] =	stream.indirect.scatter.add.f32 [tilespmem:s18], [sflag:$0x3], $0x40, s22, s15, $0xb8;
	[tilespmem:$0x11800] =	vst v63  }
0x4d: {  	_ =	swait.ge [sflag:s12], $0x1400  }
0x4e: {  	s23 =	sadd.s32 $0x1, s23;
	[sflag:s12] =	ssyncset.done $0x0  }
0x4f: {  	p0 =	sne.s32 s23, s10;
	[sflag:s12] =	ssyncadd.s32 $0xFFFFEC00  }
.Ltmp1:
0x50: {  	[bflag:$0x0] =	sbarrier.arrive $0xFFFF;
	(pc) =	sbr.rel @p0 .LBB2_1-.Ltmp1, $4  }
0x51: {  	[hbm:s9], [sflag:s6] =	dma.local [spmem:s11], $0x1400  }
0x52: {  	_ =	swait.ge [sflag:s12], $0x1400  }
0x53: {  	[sflag:s12] =	ssyncset.done $0x0  }
0x54: {  	[sflag:s12] =	ssyncadd.s32 $0xFFFFEC00  }
0x55: {  	_ =	sfence.sel $0x180000  }
0x56: {  	[bflag:$0x0] =	sbarrier.arrive $0xFFFF  }
0x57: {  	p0 =	sne.s32 s0, $0x0;
	_ =	strace $0x9000004A  }
0x58: {  	s0 =	sadd.s32 @!p0 $0x100000, s1;
	[bflag:$0x2] =	sbarrier.arrive $0xFFFF  }
0x59: {  	[sflag:s0] =	ssyncadd.tile.s32 @!p0 $0x1;
	_ =	shalt  }
.Lfunc_end2:
_tile_overlayer_lowered:
.L_overlay_start_2:
0x5a: {  	(tag) =	ssettag $0x2  }
0x5b: {  	s0 =	rddreg [dreg:$0x0];
	s2 =	stileid.u32  }
0x5c: {  	s1 =	rddreg [dreg:$0x1];
	p0 =	sne.s32 s2, $0x0  }
0x5d: {  	s3 =	rddreg [dreg:$0x2];
	[bflag:$0x3] =	sbarrier.arrive $0xFFFF;
	s2 =	simm.s32 @!p0 $0x1C03  }
0x5e: {  	[timem:s3], [sflag:s2] =	dma.local @!p0 [hbm:s0], s1  }
0x5f: {  	s0 =	simm.s32 @!p0 $0x3  }
0x60: {  	_ =	swait.ge @!p0 [sflag:s0], s1  }
0x61: {  	s1 =	ssub.s32 @!p0 $0x0, s1;
	[sflag:s0] =	ssyncset.done @!p0 $0x0  }
0x62: {  	[sflag:s0] =	ssyncadd.s32 @!p0 s1  }
0x63: {  	[bflag:$0x3] =	sbarrier.arrive $0xFFFF  }
0x64: {  	_ =	shalt  }

// kernel: kernel.15.cloned.1.call-start
scs
__scs_entry_jumppad:
0x0: {  	(pc) =	sbr.rel $0x88, $3  }
0x1: {  	(tag) =	ssettag $0x0;
	lr =	simm.s32 $0x1  }
0x2: {  	[smem:$0x3F89] =	sst lr;
	_ =	strace $0xD0000000  }
0x3: {  	_ = 	snop  }
0x4: {  	_ = 	snop  }
0x5: {  	_ = 	snop  }
0x6: {  	_ = 	snop  }
0x7: {  	_ = 	snop  }
__scs_overlays_trampoline_lowered:
0x8: {  	[smem:$0x3F98] =	sst s0  }
0x9: {  	[smem:$0x3F99] =	sst s1  }
0xa: {  	[smem:$0x3F9A] =	sst s2  }
0xb: {  	[smem:$0x3F9B] =	sst s3  }
0xc: {  	[smem:$0x3F9C] =	sst s4  }
0xd: {  	[smem:$0x3F9D] =	sst s5  }
0xe: {  	[smem:$0x3F9E] =	sst s6  }
0xf: {  	[smem:$0x3F9F] =	sst s7  }
0x10: {  	[smem:$0x3FA0] =	sst s8  }
0x11: {  	[smem:$0x3FA1] =	sst s9;
	s0 =	simm.s32 @!p0 $0x0  }
0x12: {  	s1 =	sld [smem:$0x3F87];
	s0 =	simm.s32 @p0 $0x1  }
0x13: {  	[smem:$0x3FA2] =	sst s0;
	s0 =	simm.s32 @!p1 $0x0  }
0x14: {  	s2 =	sld [smem:$0x3F86];
	s0 =	simm.s32 @p1 $0x1  }
0x15: {  	[smem:$0x3FA3] =	sst s0;
	s0 =	simm.s32 @!p2 $0x0  }
0x16: {  	s3 =	sld [smem:$0x3FDB];
	s0 =	simm.s32 @p2 $0x1  }
0x17: {  	s4 =	simm.s32 $0x1BF5;
	[smem:$0x3FA5] =	sst s0  }
0x18: {  	s0 =	sld [smem:$0x3F88];
	_ =	swait.ge [sflag:s4], $0x0  }
0x19: {  	s7 =	sld [smem:$0x3F89]  }
0x1a: {  	s8 =	sadd.s32 $0xFFFFE003, lr  }
0x1b: {  	s9 =	sadd.s32 $0xFFFFFEF7, lr;
	s5 =	simm.s32 $0xFFFFFFFF;
	p2 =	slt.u32 s8, $0xFFFFF086  }
0x1c: {  	p1 =	slt.u32 s9, $0xF7A;
	s5 =	simm.s32 @!p2 $0x0  }
0x1d: {  	s5 =	simm.s32 @p1 $0x1;
	p0 =	seq.s32 s7, s2  }
0x1e: {  	s7 =	smul.u32 @!p0 $0xF7A, s2;
	p2 =	seq.s32 @!p0 s5, $0x0  }
0x1f: {  	s9 =	smul.u32 $0xF7A, s1;
	s8 =	simm.s32 @!p0 $0x1BF5;
	p2 =	por !p2, p0  }
0x20: {  	[sflag:s8] =	ssyncset.s32 @!p0 $0xFFFFF086;
	s6 =	sadd.s32 @!p0 s3, s7;
	s7 =	simm.s32 @!p0 $0x108  }
0x21: {  	s3 =	sadd.s32 s3, s9;
	s6 =	sadd.s32 @!p0 $0x88, s6;
	s7 =	simm.s32 @p2 $0x1082  }
0x22: {  	[simem:s7], [sflag:s8] =	dma.local @!p0 [hbm:s6], $0xF7A  }
0x23: {  	s9 =	sor.u32 $0xD0000000, s2;
	s6 =	simm.s32 $0x108;
	_ =	swait.ge @!p0 [sflag:s8], $0x0  }
0x24: {  	s3 =	sadd.s32 $0x88, s3;
	s6 =	simm.s32 @!p1 $0x1082;
	[sflag:s4] =	ssyncset.s32 $0xFFFFF086  }
0x25: {  	[simem:s6], [sflag:s4] =	dma.local [hbm:s3], $0xF7A  }
0x26: {  	[smem:$0x3F89] =	sst s1;
	(tag) =	ssettag s2;
	_ =	strace s9  }
0x27: {  	s1 =	sld [smem:$0x3F99]  }
0x28: {  	s2 =	sld [smem:$0x3F9A]  }
0x29: {  	s4 =	sld [smem:$0x3F9C]  }
0x2a: {  	p0 =	seq.s32 s5, $0x0;
	s5 =	sld [smem:$0x3F9D]  }
0x2b: {  	s6 =	sld [smem:$0x3F9E]  }
0x2c: {  	s7 =	sld [smem:$0x3F9F]  }
0x2d: {  	s3 =	simm.s32 $0x108;
	s8 =	sld [smem:$0x3FA0]  }
0x2e: {  	s3 =	simm.s32 @!p0 $0x1082;
	s9 =	sld [smem:$0x3FA1]  }
0x2f: {  	lr =	sadd.s32 s0, s3;
	s0 =	sld [smem:$0x3F98]  }
0x30: {  	s3 =	sld [smem:$0x3F9B]  }
0x31: {  	[smem:$0x3FA4] =	sst s10  }
0x32: {  	s10 =	sld [smem:$0x3FA2];
	_ =	sdelay $0x3  }
0x33: {  	p0 =	seq.s32 s10, $0x1;
	s10 =	sld [smem:$0x3FA4];
	_ =	sdelay $0x3  }
0x34: {  	[smem:$0x3FA4] =	sst s10  }
0x35: {  	s10 =	sld [smem:$0x3FA3];
	_ =	sdelay $0x3  }
0x36: {  	p1 =	seq.s32 s10, $0x1;
	s10 =	sld [smem:$0x3FA4];
	_ =	sdelay $0x3  }
0x37: {  	[smem:$0x3FA4] =	sst s10  }
0x38: {  	s10 =	sld [smem:$0x3FA5]  }
0x39: {  	_ = 	snop;
	(pc) =	sbr.ind lr, $3  }
0x3a: {  	_ = 	snop  }
0x3b: {  	_ = 	snop  }
0x3c: {  	p2 =	seq.s32 s10, $0x1;
	s10 =	sld [smem:$0x3FA4]  }
0x3d: {  	_ =	shalt  }
0x3e: {  	_ =	shalt  }
0x3f: {  	_ =	shalt  }
0x40: {  	_ =	shalt  }
0x41: {  	_ =	shalt  }
0x42: {  	_ =	shalt  }
0x43: {  	_ =	shalt  }
0x44: {  	_ =	shalt  }
0x45: {  	_ =	shalt  }
0x46: {  	_ =	shalt  }
0x47: {  	_ =	shalt  }
0x48: {  	_ =	shalt  }
0x49: {  	_ =	shalt  }
0x4a: {  	_ =	shalt  }
0x4b: {  	_ =	shalt  }
0x4c: {  	_ =	shalt  }
0x4d: {  	_ =	shalt  }
0x4e: {  	_ =	shalt  }
0x4f: {  	_ =	shalt  }
0x50: {  	_ =	shalt  }
0x51: {  	_ =	shalt  }
0x52: {  	_ =	shalt  }
0x53: {  	_ =	shalt  }
0x54: {  	_ =	shalt  }
0x55: {  	_ =	shalt  }
0x56: {  	_ =	shalt  }
0x57: {  	_ =	shalt  }
0x58: {  	_ =	shalt  }
0x59: {  	_ =	shalt  }
0x5a: {  	_ =	shalt  }
0x5b: {  	_ =	shalt  }
0x5c: {  	_ =	shalt  }
0x5d: {  	_ =	shalt  }
0x5e: {  	_ =	shalt  }
0x5f: {  	_ =	shalt  }
0x60: {  	_ =	shalt  }
0x61: {  	_ =	shalt  }
0x62: {  	_ =	shalt  }
0x63: {  	_ =	shalt  }
0x64: {  	_ =	shalt  }
0x65: {  	_ =	shalt  }
0x66: {  	_ =	shalt  }
0x67: {  	_ =	shalt  }
0x68: {  	_ =	shalt  }
0x69: {  	_ =	shalt  }
0x6a: {  	_ =	shalt  }
0x6b: {  	_ =	shalt  }
0x6c: {  	_ =	shalt  }
0x6d: {  	_ =	shalt  }
0x6e: {  	_ =	shalt  }
0x6f: {  	_ =	shalt  }
0x70: {  	_ =	shalt  }
0x71: {  	_ =	shalt  }
0x72: {  	_ =	shalt  }
0x73: {  	_ =	shalt  }
0x74: {  	_ =	shalt  }
0x75: {  	_ =	shalt  }
0x76: {  	_ =	shalt  }
0x77: {  	_ =	shalt  }
0x78: {  	_ =	shalt  }
0x79: {  	_ =	shalt  }
0x7a: {  	_ =	shalt  }
0x7b: {  	_ =	shalt  }
0x7c: {  	_ =	shalt  }
0x7d: {  	_ =	shalt  }
0x7e: {  	_ =	shalt  }
0x7f: {  	_ =	shalt  }
0x80: {  	_ =	shalt  }
0x81: {  	_ =	shalt  }
0x82: {  	_ =	shalt  }
0x83: {  	_ =	shalt  }
0x84: {  	_ =	shalt  }
0x85: {  	_ =	shalt  }
0x86: {  	_ =	shalt  }
0x87: {  	_ =	shalt  }
.Lfunc_end0:
.L_simem_size_0:
called_computation.2_lowered:
.L_overlay_start_0:
0x88: {  	s2 =	sld [smem:$0x3FD9]  }
0x89: {  	s3 =	sld [smem:$0x3FFE];
	_ =	sdelay $0x1  }
0x8a: {  	s1 =	srdreg.scid  }
0x8b: {  	s0 =	sand.u32 $0x1, s1  }
0x8c: {  	s16 =	sshll.u32 s0, $0xA;
	s2 =	sadd.s32 s3, s2  }
0x8d: {  	s2 =	sadd.s32 s2, s16  }
0x8e: {  	[smem:$0x3FB0] =	sst s2  }
0x8f: {  	_ = 	snop  }
0x90: {  	(tm) =	ssettm $0x1  }
0x91: {  	s17 =	sld [smem:$0x3FFB];
	_ =	sdelay $0x3  }
0x92: {  	_ =	strace s17  }
0x93: {  	s2 =	sld [smem:$0x3FFC];
	_ =	sdelay $0x3  }
0x94: {  	_ =	strace s2  }
0x95: {  	s2 =	sld [smem:$0x3FFD];
	_ =	sdelay $0x3  }
0x96: {  	_ =	strace s2  }
0x97: {  	_ =	strace $0x8FFFFFFF  }
0x98: {  	s18 =	sld [smem:$0x3FDB];
	_ =	sdelay $0x1  }
0x99: {  	s19 =	simm.s32 $_scs_section_size  }
0x9a: {  	s4 =	simm.s32 $_size__tile_overlayer_lowered;
	s5 =	simm.s32 $_tile_overlayer_lowered  }
0x9b: {  	s22 =	simm.s32 $0x1BFF;
	s21 =	sshll.u32 s5, $0x1;
	s2 =	sadd.s32 s19, s18  }
0x9c: {  	s6 =	simm.s32 $0x0;
	s20 =	sshll.u32 s4, $0x1;
	s4 =	sadd.s32 s21, s2  }
0x9d: {  	[timem:s6], [sflag:s22] =	dma.local [hbm:s4], s20  }
0x9e: {  	_ =	swait.ge [sflag:s22], s20  }
0x9f: {  	s3 =	ssub.s32 $0x0, s20;
	[sflag:s22] =	ssyncset.done $0x0  }
0xa0: {  	[sflag:s22] =	ssyncadd.s32 s3;
	_ =	sdelay $0x1  }
0xa1: {  	s23 =	simm.s32 $0x1B8B  }
0xa2: {  	_ =	swait.ge [sflag:s23], $0x1  }
0xa3: {  	[sflag:s23] =	ssyncset.done $0x0  }
0xa4: {  	s25 =	simm.s32 $0x1B8E;
	s24 =	sld [smem:$0x3FFE];
	[sflag:s23] =	ssyncadd.s32 $0xFFFFFFFF  }
0xa5: {  	s26 =	simm.s32 $execute0_lowered;
	[smem:$0x3FD2] =	sst s25  }
0xa6: {  	s4 =	sshll.u32 s26, $0x1;
	_ =	strace $0x8000004C;
	[dreg:$0x1] =	wrdreg $0xFFFFFFFF  }
0xa7: {  	s28 =	simm.s32 $_size_execute0_lowered;
	s2 =	sadd.s32 s2, s4;
	[dreg:$0x0] =	wrdreg $0x0  }
0xa8: {  	s4 =	sshll.u32 s28, $0x1;
	[dreg:$0x2] =	wrdreg s2  }
0xa9: {  	[dreg:$0x3] =	wrdreg s4  }
0xaa: {  	[dreg:$0x4] =	wrdreg $0xC0  }
0xab: {  	_ =	task [dreg:s6], $0x5FFFF  }
0xac: {  	[dreg:$0x1] =	wrdreg $0xFFFFFFFF  }
0xad: {  	[dreg:$0x0] =	wrdreg $0x60  }
0xae: {  	[dreg:$0x2] =	wrdreg s24  }
0xaf: {  	[dreg:$0x3] =	wrdreg $0x0  }
0xb0: {  	[dreg:$0x4] =	wrdreg $0x9  }
0xb1: {  	_ =	task.clear_ibuf [dreg:s6], $0x5FFFF;
	_ =	strace $0x9000004C  }
0xb2: {  	s29 =	simm.s32 $0x9;
	_ =	strace $0x8000004E  }
0xb3: {  	_ =	swait.ge [sflag:s29], $0x1  }
0xb4: {  	[sflag:s29] =	ssyncadd.s32 $0xFFFFFFFF  }
0xb5: {  	_ =	strace $0x9000004E  }
0xb6: {  	_ =	sfence  }
0xb7: {  	s30 =	sld [smem:$0x0];
	_ =	sdelay $0x2  }
0xb8: {  	s31 =	sshll.u32 s1, $0xD;
	s1 =	sshrl.u32 s1, $0x2  }
0xb9: {  	s3 =	sand.u32 $0x4000, s31;
	s1 =	sadd.s32 s1, s30  }
0xba: {  	s0 =	sor.u32 s3, s0;
	s1 =	sshll.u32 s1, $0x11  }
0xbb: {  	s0 =	sor.u32 s1, s0  }
0xbc: {  	s0 =	sadd.s32 $0x8F2B, s0  }
0xbd: {  	[sflag:s0] =	ssyncadd.remote.s32 $0x1  }
0xbe: {  	_ =	sfence.sel $0xFFFF  }
0xbf: {  	[dreg:$0x0] =	wrdreg $0xFFFFFFFF;
	(pc) =	sbr.abs _section_cstart, $3  }
0xc0: {  	[dreg:$0x1] =	wrdreg $0xFFFFFFFF  }
0xc1: {  	_ =	task.clear_ibuf [dreg:s6], $0x2FFFF;
	_ =	strace $0x9FFFFFFF  }
0xc2: {  	(tm) =	ssettm $0x7FFFFFFF  }
0xc3: {  	_ =	shalt  }
tec
execute0_lowered:
.L_overlay_start_1:
0x0: {  	(tag) =	ssettag $0x1  }
0x1: {  	s1 =	srdreg.scid  }
0x2: {  	s0 =	stileid.u32;
	s6 =	rddreg [dreg:$0x0]  }
0x3: {  	s2 =	rddreg [dreg:$0x1];
	s3 =	simm.s32 $0x0;
	s14 =	simm.s32 $0xC800  }
0x4: {  	s15 =	simm.s32 $0x50;
	s16 =	simm.s32 $0xF000;
	s17 =	simm.s32 $0xC850  }
0x5: {  	s18 =	simm.s32 $0x10400;
	s19 =	simm.s32 $0x1;
	s20 =	simm.s32 $0x2  }
0x6: {  	s21 =	simm.s32 $0xC760;
	s22 =	simm.s32 $0xC7B0;
	s23 =	simm.s32 $0x0  }
0x7: {  	s5 =	sand.u32 $0x1, s1;
	s28 =	sshll.u32 s0, $0x1;
	s8 =	smul.u32 $0xA000, s0  }
0x8: {  	[smem:$0x7FF] =	sst s3;
	s4 =	sadd.s32 $0x17C00, s6;
	s31 =	sshll.u32 s0, $0x6  }
0x9: {  	s1 =	sor.u32 s5, s28;
	s9 =	smul.u32 $0xA0000, s5;
	s5 =	ssub.s32 $0x2, s5  }
0xa: {  	s7 =	smul.u32 $0x500, s1;
	s1 =	rddreg [dreg:$0x2];
	_ =	strace $0x8000004D  }
0xb: {  	s30 =	sshrl.u32 s8, $0x3;
	s11 =	sshrl.u32 s5, $0x1;
	s13 =	sadd.s32 s8, s2  }
0xc: {  	s29 =	sadd.s32 s8, s9;
	s9 =	sadd.s32 s30, s6;
	s11 =	ssub.s32 s5, s11  }
0xd: {  	s10 =	sadd.s32 s7, s6;
	s7 =	sshrl.u32 s29, $0x3;
	s5 =	sadd.s32 $0x2B600, s9  }
0xe: {  	s12 =	sadd.s32 s7, s6;
	s6 =	sor.u32 $0x1C03, s31;
	s7 =	sadd.s32 $0x3C00, s10  }
0xf: {  	s8 =	sadd.s32 $0xDC00, s10;
	s10 =	smax.u32 s11, $0x1;
	s11 =	sshrl.u32 s13, $0x3  }
0x10: {  	s13 =	simm.s32 $0xA000;
	s9 =	sadd.s32 $0x44600, s12;
	s12 =	simm.s32 $0x3  }
.LBB2_1:
0x11: {  	[spmem:s11], [sflag:s6] =	dma.local [hbm:s5], $0x1400  }
0x12: {  	_ =	swait.ge [sflag:s12], $0x1400  }
0x13: {  	[sflag:s12] =	ssyncset.done $0x0  }
0x14: {  	[sflag:s12] =	ssyncadd.s32 $0xFFFFEC00  }
0x15: {  	[tilespmem:s13], [sflag:$0x3] =	stream.linear.gather [hbm4b:s7+s3], $0x2800, $0x38;
	[tilespmem:$0x11800] =	vst v63  }
0x16: {  	_ =	swait.ge [sflag:s12], $0x2800  }
0x17: {  	[sflag:s12] =	ssyncset.done $0x0  }
0x18: {  	[sflag:s12] =	ssyncadd.s32 $0xFFFFD800  }
0x19: {  	[tilespmem:s14], [sflag:$0x3] =	stream.linear.gather [hbm4b:s8+s3], $0x2800, $0x38;
	[tilespmem:$0x11800] =	vst v63  }
0x1a: {  	_ =	swait.ge [sflag:s12], $0x2800  }
0x1b: {  	[sflag:s12] =	ssyncset.done $0x0  }
0x1c: {  	[sflag:s12] =	ssyncadd.s32 $0xFFFFD800  }
0x1d: {  	[bflag:$0x0] =	sbarrier.arrive $0xFFFF  }
0x1e: {  	[tilespmem:s16], [sflag:$0x1] =	stream.indirect.gather [hbm4b:s4+s15], $0x40, s14, s15, $0xb8;
	[tilespmem:$0x11800] =	vst v63  }
0x1f: {  	_ = 	snop  }
0x20: {  	[tilespmem:s18], [sflag:$0x2] =	stream.indirect.gather [hbm4b:s4+s15], $0x40, s17, s15, $0xb8;
	[tilespmem:$0x11800] =	vst v63  }
0x21: {  	_ =	swait.ge [sflag:s19], $0x1400  }
0x22: {  	[sflag:s19] =	ssyncset.done $0x0  }
0x23: {  	s24 =	simm.s32 $0xA000;
	[sflag:s19] =	ssyncadd.s32 $0xFFFFEC00  }
0x24: {  	[spmem:s2] =	stream.indirect.scatter.add.f32 [tilespmem:s16], [sflag:$0x3], $0x40, s24, s15, $0xb8;
	[tilespmem:$0x11800] =	vst v63  }
0x25: {  	_ =	swait.ge [sflag:s12], $0x1400  }
0x26: {  	[sflag:s12] =	ssyncset.done $0x0  }
0x27: {  	s30 =	simm.s32 $0xC8A0;
	[sflag:s12] =	ssyncadd.s32 $0xFFFFEC00  }
0x28: {  	[tilespmem:s16], [sflag:$0x1] =	stream.indirect.gather [hbm4b:s4+s15], $0x40, s30, s15, $0xb8;
	[tilespmem:$0x11800] =	vst v63  }
0x29: {  	_ =	swait.ge [sflag:s20], $0x1400  }
0x2a: {  	[sflag:s20] =	ssyncset.done $0x0  }
0x2b: {  	s31 =	simm.s32 $0xA050;
	[sflag:s20] =	ssyncadd.s32 $0xFFFFEC00  }
0x2c: {  	[spmem:s2] =	stream.indirect.scatter.add.f32 [tilespmem:s18], [sflag:$0x3], $0x40, s31, s15, $0xb8;
	[tilespmem:$0x11800] =	vst v63  }
0x2d: {  	_ =	swait.ge [sflag:s12], $0x1400  }
0x2e: {  	[sflag:s12] =	ssyncset.done $0x0  }
0x2f: {  	s25 =	simm.s32 $0xC8F0;
	s24 =	simm.s32 $0x280;
	[sflag:s12] =	ssyncadd.s32 $0xFFFFEC00  }
.LBB2_2:
0x30: {  	[tilespmem:s18], [sflag:$0x2] =	stream.indirect.gather [hbm4b:s4+s15], $0x40, s25, s15, $0xb8;
	[tilespmem:$0x11800] =	vst v63  }
0x31: {  	s25 =	smov.u32 s24  }
0x32: {  	p0 =	sne.s32 s24, $0x9B00;
	s24 =	sadd.s32 $0x280, s24;
	_ =	swait.ge [sflag:s19], $0x1400  }
0x33: {  	s25 =	sshra.s32 s25, $0x2;
	[sflag:s19] =	ssyncset.done $0x0  }
0x34: {  	s26 =	sadd.s32 $0xA000, s25;
	[sflag:s19] =	ssyncadd.s32 $0xFFFFEC00  }
0x35: {  	[spmem:s2] =	stream.indirect.scatter.add.f32 [tilespmem:s16], [sflag:$0x3], $0x40, s26, s15, $0xb8;
	[tilespmem:$0x11800] =	vst v63  }
0x36: {  	_ =	swait.ge [sflag:s12], $0x1400  }
0x37: {  	[sflag:s12] =	ssyncset.done $0x0  }
0x38: {  	s26 =	sadd.s32 $0xC8A0, s25;
	[sflag:s12] =	ssyncadd.s32 $0xFFFFEC00  }
0x39: {  	[tilespmem:s16], [sflag:$0x1] =	stream.indirect.gather [hbm4b:s4+s15], $0x40, s26, s15, $0xb8;
	[tilespmem:$0x11800] =	vst v63  }
0x3a: {  	_ =	swait.ge [sflag:s20], $0x1400  }
0x3b: {  	[sflag:s20] =	ssyncset.done $0x0  }
.Ltmp0:
0x3c: {  	s26 =	sadd.s32 $0xA050, s25;
	[sflag:s20] =	ssyncadd.s32 $0xFFFFEC00;
	(pc) =	sbr.rel @p0 .LBB2_2-.Ltmp0, $4  }
0x3d: {  	[spmem:s2] =	stream.indirect.scatter.add.f32 [tilespmem:s18], [sflag:$0x3], $0x40, s26, s15, $0xb8;
	[tilespmem:$0x11800] =	vst v63  }
0x3e: {  	_ =	swait.ge [sflag:s12], $0x1400  }
0x3f: {  	[sflag:s12] =	ssyncset.done $0x0  }
0x40: {  	s25 =	sadd.s32 $0xC8F0, s25;
	[sflag:s12] =	ssyncadd.s32 $0xFFFFEC00  }
0x41: {  	[tilespmem:s18], [sflag:$0x2] =	stream.indirect.gather [hbm4b:s4+s15], $0x40, s25, s15, $0xb8;
	[tilespmem:$0x11800] =	vst v63  }
0x42: {  	_ =	swait.ge [sflag:s19], $0x1400  }
0x43: {  	[sflag:s19] =	ssyncset.done $0x0  }
0x44: {  	[sflag:s19] =	ssyncadd.s32 $0xFFFFEC00  }
0x45: {  	[spmem:s2] =	stream.indirect.scatter.add.f32 [tilespmem:s16], [sflag:$0x3], $0x40, s21, s15, $0xb8;
	[tilespmem:$0x11800] =	vst v63  }
0x46: {  	_ =	swait.ge [sflag:s12], $0x1400  }
0x47: {  	[sflag:s12] =	ssyncset.done $0x0  }
0x48: {  	[sflag:s12] =	ssyncadd.s32 $0xFFFFEC00  }
0x49: {  	_ =	swait.ge [sflag:s20], $0x1400  }
0x4a: {  	[sflag:s20] =	ssyncset.done $0x0  }
0x4b: {  	[sflag:s20] =	ssyncadd.s32 $0xFFFFEC00  }
0x4c: {  	[spmem:s2] =	stream.indirect.scatter.add.f32 [tilespmem:s18], [sflag:$0x3], $0x40, s22, s15, $0xb8;
	[tilespmem:$0x11800] =	vst v63  }
0x4d: {  	_ =	swait.ge [sflag:s12], $0x1400  }
0x4e: {  	s23 =	sadd.s32 $0x1, s23;
	[sflag:s12] =	ssyncset.done $0x0  }
0x4f: {  	p0 =	sne.s32 s23, s10;
	[sflag:s12] =	ssyncadd.s32 $0xFFFFEC00  }
.Ltmp1:
0x50: {  	[bflag:$0x0] =	sbarrier.arrive $0xFFFF;
	(pc) =	sbr.rel @p0 .LBB2_1-.Ltmp1, $4  }
0x51: {  	[hbm:s9], [sflag:s6] =	dma.local [spmem:s11], $0x1400  }
0x52: {  	_ =	swait.ge [sflag:s12], $0x1400  }
0x53: {  	[sflag:s12] =	ssyncset.done $0x0  }
0x54: {  	[sflag:s12] =	ssyncadd.s32 $0xFFFFEC00  }
0x55: {  	_ =	sfence.sel $0x180000  }
0x56: {  	[bflag:$0x0] =	sbarrier.arrive $0xFFFF  }
0x57: {  	p0 =	sne.s32 s0, $0x0;
	_ =	strace $0x9000004D  }
0x58: {  	s0 =	sadd.s32 @!p0 $0x100000, s1;
	[bflag:$0x2] =	sbarrier.arrive $0xFFFF  }
0x59: {  	[sflag:s0] =	ssyncadd.tile.s32 @!p0 $0x1;
	_ =	shalt  }
.Lfunc_end2:
_tile_overlayer_lowered:
.L_overlay_start_2:
0x5a: {  	(tag) =	ssettag $0x2  }
0x5b: {  	s0 =	rddreg [dreg:$0x0];
	s2 =	stileid.u32  }
0x5c: {  	s1 =	rddreg [dreg:$0x1];
	p0 =	sne.s32 s2, $0x0  }
0x5d: {  	s3 =	rddreg [dreg:$0x2];
	[bflag:$0x3] =	sbarrier.arrive $0xFFFF;
	s2 =	simm.s32 @!p0 $0x1C03  }
0x5e: {  	[timem:s3], [sflag:s2] =	dma.local @!p0 [hbm:s0], s1  }
0x5f: {  	s0 =	simm.s32 @!p0 $0x3  }
0x60: {  	_ =	swait.ge @!p0 [sflag:s0], s1  }
0x61: {  	s1 =	ssub.s32 @!p0 $0x0, s1;
	[sflag:s0] =	ssyncset.done @!p0 $0x0  }
0x62: {  	[sflag:s0] =	ssyncadd.s32 @!p0 s1  }
0x63: {  	[bflag:$0x3] =	sbarrier.arrive $0xFFFF  }
0x64: {  	_ =	shalt  }

// kernel: kernel.9.cloned.1.call-start
scs
__scs_entry_jumppad:
0x0: {  	(pc) =	sbr.rel $0x88, $3  }
0x1: {  	(tag) =	ssettag $0x0;
	lr =	simm.s32 $0x1  }
0x2: {  	[smem:$0x3F89] =	sst lr;
	_ =	strace $0xD0000000  }
0x3: {  	_ = 	snop  }
0x4: {  	_ = 	snop  }
0x5: {  	_ = 	snop  }
0x6: {  	_ = 	snop  }
0x7: {  	_ = 	snop  }
__scs_overlays_trampoline_lowered:
0x8: {  	[smem:$0x3F98] =	sst s0  }
0x9: {  	[smem:$0x3F99] =	sst s1  }
0xa: {  	[smem:$0x3F9A] =	sst s2  }
0xb: {  	[smem:$0x3F9B] =	sst s3  }
0xc: {  	[smem:$0x3F9C] =	sst s4  }
0xd: {  	[smem:$0x3F9D] =	sst s5  }
0xe: {  	[smem:$0x3F9E] =	sst s6  }
0xf: {  	[smem:$0x3F9F] =	sst s7  }
0x10: {  	[smem:$0x3FA0] =	sst s8  }
0x11: {  	[smem:$0x3FA1] =	sst s9;
	s0 =	simm.s32 @!p0 $0x0  }
0x12: {  	s1 =	sld [smem:$0x3F87];
	s0 =	simm.s32 @p0 $0x1  }
0x13: {  	[smem:$0x3FA2] =	sst s0;
	s0 =	simm.s32 @!p1 $0x0  }
0x14: {  	s2 =	sld [smem:$0x3F86];
	s0 =	simm.s32 @p1 $0x1  }
0x15: {  	[smem:$0x3FA3] =	sst s0;
	s0 =	simm.s32 @!p2 $0x0  }
0x16: {  	s3 =	sld [smem:$0x3FDB];
	s0 =	simm.s32 @p2 $0x1  }
0x17: {  	s4 =	simm.s32 $0x1BF5;
	[smem:$0x3FA5] =	sst s0  }
0x18: {  	s0 =	sld [smem:$0x3F88];
	_ =	swait.ge [sflag:s4], $0x0  }
0x19: {  	s7 =	sld [smem:$0x3F89]  }
0x1a: {  	s8 =	sadd.s32 $0xFFFFE003, lr  }
0x1b: {  	s9 =	sadd.s32 $0xFFFFFEF7, lr;
	s5 =	simm.s32 $0xFFFFFFFF;
	p2 =	slt.u32 s8, $0xFFFFF086  }
0x1c: {  	p1 =	slt.u32 s9, $0xF7A;
	s5 =	simm.s32 @!p2 $0x0  }
0x1d: {  	s5 =	simm.s32 @p1 $0x1;
	p0 =	seq.s32 s7, s2  }
0x1e: {  	s7 =	smul.u32 @!p0 $0xF7A, s2;
	p2 =	seq.s32 @!p0 s5, $0x0  }
0x1f: {  	s9 =	smul.u32 $0xF7A, s1;
	s8 =	simm.s32 @!p0 $0x1BF5;
	p2 =	por !p2, p0  }
0x20: {  	[sflag:s8] =	ssyncset.s32 @!p0 $0xFFFFF086;
	s6 =	sadd.s32 @!p0 s3, s7;
	s7 =	simm.s32 @!p0 $0x108  }
0x21: {  	s3 =	sadd.s32 s3, s9;
	s6 =	sadd.s32 @!p0 $0x88, s6;
	s7 =	simm.s32 @p2 $0x1082  }
0x22: {  	[simem:s7], [sflag:s8] =	dma.local @!p0 [hbm:s6], $0xF7A  }
0x23: {  	s9 =	sor.u32 $0xD0000000, s2;
	s6 =	simm.s32 $0x108;
	_ =	swait.ge @!p0 [sflag:s8], $0x0  }
0x24: {  	s3 =	sadd.s32 $0x88, s3;
	s6 =	simm.s32 @!p1 $0x1082;
	[sflag:s4] =	ssyncset.s32 $0xFFFFF086  }
0x25: {  	[simem:s6], [sflag:s4] =	dma.local [hbm:s3], $0xF7A  }
0x26: {  	[smem:$0x3F89] =	sst s1;
	(tag) =	ssettag s2;
	_ =	strace s9  }
0x27: {  	s1 =	sld [smem:$0x3F99]  }
0x28: {  	s2 =	sld [smem:$0x3F9A]  }
0x29: {  	s4 =	sld [smem:$0x3F9C]  }
0x2a: {  	p0 =	seq.s32 s5, $0x0;
	s5 =	sld [smem:$0x3F9D]  }
0x2b: {  	s6 =	sld [smem:$0x3F9E]  }
0x2c: {  	s7 =	sld [smem:$0x3F9F]  }
0x2d: {  	s3 =	simm.s32 $0x108;
	s8 =	sld [smem:$0x3FA0]  }
0x2e: {  	s3 =	simm.s32 @!p0 $0x1082;
	s9 =	sld [smem:$0x3FA1]  }
0x2f: {  	lr =	sadd.s32 s0, s3;
	s0 =	sld [smem:$0x3F98]  }
0x30: {  	s3 =	sld [smem:$0x3F9B]  }
0x31: {  	[smem:$0x3FA4] =	sst s10  }
0x32: {  	s10 =	sld [smem:$0x3FA2];
	_ =	sdelay $0x3  }
0x33: {  	p0 =	seq.s32 s10, $0x1;
	s10 =	sld [smem:$0x3FA4];
	_ =	sdelay $0x3  }
0x34: {  	[smem:$0x3FA4] =	sst s10  }
0x35: {  	s10 =	sld [smem:$0x3FA3];
	_ =	sdelay $0x3  }
0x36: {  	p1 =	seq.s32 s10, $0x1;
	s10 =	sld [smem:$0x3FA4];
	_ =	sdelay $0x3  }
0x37: {  	[smem:$0x3FA4] =	sst s10  }
0x38: {  	s10 =	sld [smem:$0x3FA5]  }
0x39: {  	_ = 	snop;
	(pc) =	sbr.ind lr, $3  }
0x3a: {  	_ = 	snop  }
0x3b: {  	_ = 	snop  }
0x3c: {  	p2 =	seq.s32 s10, $0x1;
	s10 =	sld [smem:$0x3FA4]  }
0x3d: {  	_ =	shalt  }
0x3e: {  	_ =	shalt  }
0x3f: {  	_ =	shalt  }
0x40: {  	_ =	shalt  }
0x41: {  	_ =	shalt  }
0x42: {  	_ =	shalt  }
0x43: {  	_ =	shalt  }
0x44: {  	_ =	shalt  }
0x45: {  	_ =	shalt  }
0x46: {  	_ =	shalt  }
0x47: {  	_ =	shalt  }
0x48: {  	_ =	shalt  }
0x49: {  	_ =	shalt  }
0x4a: {  	_ =	shalt  }
0x4b: {  	_ =	shalt  }
0x4c: {  	_ =	shalt  }
0x4d: {  	_ =	shalt  }
0x4e: {  	_ =	shalt  }
0x4f: {  	_ =	shalt  }
0x50: {  	_ =	shalt  }
0x51: {  	_ =	shalt  }
0x52: {  	_ =	shalt  }
0x53: {  	_ =	shalt  }
0x54: {  	_ =	shalt  }
0x55: {  	_ =	shalt  }
0x56: {  	_ =	shalt  }
0x57: {  	_ =	shalt  }
0x58: {  	_ =	shalt  }
0x59: {  	_ =	shalt  }
0x5a: {  	_ =	shalt  }
0x5b: {  	_ =	shalt  }
0x5c: {  	_ =	shalt  }
0x5d: {  	_ =	shalt  }
0x5e: {  	_ =	shalt  }
0x5f: {  	_ =	shalt  }
0x60: {  	_ =	shalt  }
0x61: {  	_ =	shalt  }
0x62: {  	_ =	shalt  }
0x63: {  	_ =	shalt  }
0x64: {  	_ =	shalt  }
0x65: {  	_ =	shalt  }
0x66: {  	_ =	shalt  }
0x67: {  	_ =	shalt  }
0x68: {  	_ =	shalt  }
0x69: {  	_ =	shalt  }
0x6a: {  	_ =	shalt  }
0x6b: {  	_ =	shalt  }
0x6c: {  	_ =	shalt  }
0x6d: {  	_ =	shalt  }
0x6e: {  	_ =	shalt  }
0x6f: {  	_ =	shalt  }
0x70: {  	_ =	shalt  }
0x71: {  	_ =	shalt  }
0x72: {  	_ =	shalt  }
0x73: {  	_ =	shalt  }
0x74: {  	_ =	shalt  }
0x75: {  	_ =	shalt  }
0x76: {  	_ =	shalt  }
0x77: {  	_ =	shalt  }
0x78: {  	_ =	shalt  }
0x79: {  	_ =	shalt  }
0x7a: {  	_ =	shalt  }
0x7b: {  	_ =	shalt  }
0x7c: {  	_ =	shalt  }
0x7d: {  	_ =	shalt  }
0x7e: {  	_ =	shalt  }
0x7f: {  	_ =	shalt  }
0x80: {  	_ =	shalt  }
0x81: {  	_ =	shalt  }
0x82: {  	_ =	shalt  }
0x83: {  	_ =	shalt  }
0x84: {  	_ =	shalt  }
0x85: {  	_ =	shalt  }
0x86: {  	_ =	shalt  }
0x87: {  	_ =	shalt  }
.Lfunc_end0:
.L_simem_size_0:
called_computation_lowered:
.L_overlay_start_0:
0x88: {  	s2 =	sld [smem:$0x3FD9]  }
0x89: {  	s3 =	sld [smem:$0x3FFE];
	_ =	sdelay $0x1  }
0x8a: {  	s1 =	srdreg.scid  }
0x8b: {  	s0 =	sand.u32 $0x1, s1  }
0x8c: {  	s17 =	sshll.u32 s0, $0xA;
	s2 =	sadd.s32 s3, s2  }
0x8d: {  	s2 =	sadd.s32 s2, s17  }
0x8e: {  	[smem:$0x3FB0] =	sst s2  }
0x8f: {  	_ = 	snop  }
0x90: {  	s2 =	sld [smem:$0x3FD0];
	(tm) =	ssettm $0x1  }
0x91: {  	s18 =	sld [smem:$0x3FFB];
	_ =	sdelay $0x3  }
0x92: {  	_ =	strace s18  }
0x93: {  	s3 =	sld [smem:$0x3FFC];
	_ =	sdelay $0x3  }
0x94: {  	_ =	strace s3  }
0x95: {  	s3 =	sld [smem:$0x3FFD];
	_ =	sdelay $0x3  }
0x96: {  	_ =	strace s3  }
0x97: {  	_ =	strace $0x8FFFFFFF  }
0x98: {  	s19 =	sld [smem:$0x3FDB];
	_ =	sdelay $0x1  }
0x99: {  	s4 =	simm.s32 $_scs_section_size  }
0x9a: {  	s5 =	simm.s32 $_size__tile_overlayer_lowered;
	s6 =	simm.s32 $_tile_overlayer_lowered  }
0x9b: {  	s22 =	simm.s32 $0x1BFF;
	s21 =	sshll.u32 s6, $0x1;
	s3 =	sadd.s32 s4, s19  }
0x9c: {  	s7 =	simm.s32 $0x0;
	s20 =	sshll.u32 s5, $0x1;
	s5 =	sadd.s32 s21, s3  }
0x9d: {  	[timem:s7], [sflag:s22] =	dma.local [hbm:s5], s20  }
0x9e: {  	_ =	swait.ge [sflag:s22], s20  }
0x9f: {  	s4 =	ssub.s32 $0x0, s20;
	[sflag:s22] =	ssyncset.done $0x0  }
0xa0: {  	[sflag:s22] =	ssyncadd.s32 s4;
	_ =	sdelay $0x1  }
0xa1: {  	s23 =	simm.s32 $0x1B8B  }
0xa2: {  	_ =	swait.ge [sflag:s23], $0x1  }
0xa3: {  	[sflag:s23] =	ssyncset.done $0x0  }
0xa4: {  	s25 =	simm.s32 $0x1B8E;
	s24 =	sld [smem:$0x3FFE];
	[sflag:s23] =	ssyncadd.s32 $0xFFFFFFFF  }
0xa5: {  	s26 =	simm.s32 $execute0_lowered;
	[smem:$0x3FD2] =	sst s25  }
0xa6: {  	s5 =	sshll.u32 s26, $0x1;
	_ =	strace $0x80000046;
	[dreg:$0x1] =	wrdreg $0xFFFFFFFF  }
0xa7: {  	s28 =	simm.s32 $_size_execute0_lowered;
	s3 =	sadd.s32 s3, s5;
	[dreg:$0x0] =	wrdreg $0x0  }
0xa8: {  	s5 =	sshll.u32 s28, $0x1;
	[dreg:$0x2] =	wrdreg s3  }
0xa9: {  	[dreg:$0x3] =	wrdreg s5  }
0xaa: {  	[dreg:$0x4] =	wrdreg $0xC0  }
0xab: {  	_ =	task [dreg:s7], $0x5FFFF  }
0xac: {  	[dreg:$0x1] =	wrdreg $0xFFFFFFFF  }
0xad: {  	[dreg:$0x0] =	wrdreg $0x60  }
0xae: {  	[dreg:$0x2] =	wrdreg s24  }
0xaf: {  	[dreg:$0x3] =	wrdreg s2  }
0xb0: {  	[dreg:$0x4] =	wrdreg $0x0  }
0xb1: {  	[dreg:$0x5] =	wrdreg $0x118000  }
0xb2: {  	[dreg:$0x6] =	wrdreg $0x9  }
0xb3: {  	_ =	task.clear_ibuf [dreg:s7], $0x7FFFF;
	_ =	strace $0x90000046  }
0xb4: {  	s29 =	simm.s32 $0x9;
	_ =	strace $0x80000048  }
0xb5: {  	_ =	swait.ge [sflag:s29], $0x1  }
0xb6: {  	[sflag:s29] =	ssyncadd.s32 $0xFFFFFFFF  }
0xb7: {  	_ =	strace $0x90000048  }
0xb8: {  	_ =	sfence  }
0xb9: {  	s30 =	sld [smem:$0x0];
	_ =	sdelay $0x2  }
0xba: {  	s31 =	sshll.u32 s1, $0xD;
	s1 =	sshrl.u32 s1, $0x2  }
0xbb: {  	s3 =	sand.u32 $0x4000, s31;
	s1 =	sadd.s32 s1, s30  }
0xbc: {  	s0 =	sor.u32 s3, s0;
	s1 =	sshll.u32 s1, $0x11  }
0xbd: {  	s0 =	sor.u32 s1, s0  }
0xbe: {  	s0 =	sadd.s32 $0x8F2B, s0  }
0xbf: {  	[sflag:s0] =	ssyncadd.remote.s32 $0x1  }
0xc0: {  	_ =	sfence.sel $0xFFFF  }
0xc1: {  	[dreg:$0x0] =	wrdreg $0xFFFFFFFF;
	(pc) =	sbr.abs _section_cstart, $3  }
0xc2: {  	[dreg:$0x1] =	wrdreg $0xFFFFFFFF  }
0xc3: {  	_ =	task.clear_ibuf [dreg:s7], $0x2FFFF;
	_ =	strace $0x9FFFFFFF  }
0xc4: {  	(tm) =	ssettm $0x7FFFFFFF  }
0xc5: {  	_ =	shalt  }
tec
execute0_lowered:
.L_overlay_start_1:
0x0: {  	(tag) =	ssettag $0x1  }
0x1: {  	s2 =	rddreg [dreg:$0x0];
	s3 =	srdreg.scid  }
0x2: {  	s0 =	stileid.u32;
	s1 =	rddreg [dreg:$0x1]  }
0x3: {  	s19 =	simm.s32 $0xA000;
	s20 =	simm.s32 $0xC800;
	s21 =	simm.s32 $0x50  }
0x4: {  	s22 =	simm.s32 $0xF000;
	s23 =	simm.s32 $0xC850;
	s28 =	simm.s32 $0xC760  }
0x5: {  	s29 =	simm.s32 $0xC7B0;
	s30 =	simm.s32 $0x0;
	s9 =	smul.u32 $0xA000, s0  }
0x6: {  	s7 =	sand.u32 $0x1, s3;
	s4 =	sshll.u32 s0, $0x1;
	s10 =	smul.u32 $0x2800, s0  }
0x7: {  	s3 =	rddreg [dreg:$0x2];
	s6 =	sadd.s32 $0x17C00, s2;
	s11 =	smul.u32 $0xA0000, s7  }
0x8: {  	s31 =	sshll.u32 s0, $0x6;
	s5 =	sor.u32 s7, s4;
	s13 =	smul.u32 $0x28000, s7  }
0x9: {  	s4 =	rddreg [dreg:$0x3];
	s7 =	ssub.s32 $0x2, s7;
	s8 =	smul.u32 $0x500, s5  }
0xa: {  	s5 =	simm.s32 $0x0;
	s12 =	sshrl.u32 s9, $0x3;
	s25 =	sshrl.u32 s10, $0x3  }
0xb: {  	s26 =	sshrl.u32 s7, $0x1;
	s17 =	sadd.s32 s9, s3;
	s18 =	sadd.s32 s10, s4  }
0xc: {  	[smem:$0x7FF] =	sst s5;
	s24 =	sadd.s32 s12, s2;
	s12 =	sadd.s32 s25, s2  }
0xd: {  	s11 =	sadd.s32 s9, s11;
	s13 =	sadd.s32 s10, s13;
	s16 =	ssub.s32 s7, s26  }
0xe: {  	s25 =	simm.s32 $0x1;
	s26 =	simm.s32 $0x2;
	_ =	strace $0x80000047  }
0xf: {  	s14 =	sadd.s32 s8, s2;
	s11 =	sshrl.u32 s11, $0x3;
	s13 =	sshrl.u32 s13, $0x3  }
0x10: {  	s7 =	sadd.s32 $0x2B600, s24;
	s8 =	sor.u32 $0x1C03, s31;
	s9 =	sadd.s32 $0x3F600, s12  }
0x11: {  	s24 =	simm.s32 $0x10400;
	s15 =	sadd.s32 s11, s2;
	s2 =	sadd.s32 s13, s2  }
0x12: {  	s10 =	sadd.s32 $0x3C00, s14;
	s11 =	sadd.s32 $0xDC00, s14;
	s14 =	smax.u32 s16, $0x1  }
0x13: {  	s16 =	simm.s32 $0x3;
	s12 =	sadd.s32 $0x4E600, s15;
	s13 =	sadd.s32 $0x44600, s2  }
0x14: {  	s15 =	sshrl.u32 s17, $0x3;
	s17 =	sshrl.u32 s18, $0x3;
	s18 =	simm.s32 $0x14000  }
.LBB2_1:
0x15: {  	[spmem:s15], [sflag:s8] =	dma.local [hbm:s7], $0x1400  }
0x16: {  	_ =	swait.ge [sflag:s16], $0x1400  }
0x17: {  	[sflag:s16] =	ssyncset.done $0x0  }
0x18: {  	[sflag:s16] =	ssyncadd.s32 $0xFFFFEC00  }
0x19: {  	[spmem:s17], [sflag:s8] =	dma.local [hbm:s9], $0x500  }
0x1a: {  	_ =	swait.ge [sflag:s16], $0x500  }
0x1b: {  	[sflag:s16] =	ssyncset.done $0x0  }
0x1c: {  	[sflag:s16] =	ssyncadd.s32 $0xFFFFFB00  }
0x1d: {  	[tilespmem:s18], [sflag:$0x3] =	stream.linear.gather [hbm4b:s1+s5], $0x500, $0x38;
	[tilespmem:$0x14500] =	vst v63  }
0x1e: {  	_ =	swait.ge [sflag:s16], $0x500  }
0x1f: {  	[sflag:s16] =	ssyncset.done $0x0  }
0x20: {  	[sflag:s16] =	ssyncadd.s32 $0xFFFFFB00  }
0x21: {  	[tilespmem:s19], [sflag:$0x3] =	stream.linear.gather [hbm4b:s10+s5], $0x2800, $0x38;
	[tilespmem:$0x14500] =	vst v63  }
0x22: {  	_ =	swait.ge [sflag:s16], $0x2800  }
0x23: {  	[sflag:s16] =	ssyncset.done $0x0  }
0x24: {  	[sflag:s16] =	ssyncadd.s32 $0xFFFFD800  }
0x25: {  	[tilespmem:s20], [sflag:$0x3] =	stream.linear.gather [hbm4b:s11+s5], $0x2800, $0x38;
	[tilespmem:$0x14500] =	vst v63  }
0x26: {  	_ =	swait.ge [sflag:s16], $0x2800  }
0x27: {  	[sflag:s16] =	ssyncset.done $0x0  }
0x28: {  	[sflag:s16] =	ssyncadd.s32 $0xFFFFD800  }
0x29: {  	[bflag:$0x0] =	sbarrier.arrive $0xFFFF  }
0x2a: {  	[tilespmem:s22], [sflag:$0x1] =	stream.indirect.gather [hbm4b:s6+s21], $0x40, s20, s21, $0xb8;
	[tilespmem:$0x14500] =	vst v63  }
0x2b: {  	_ = 	snop  }
0x2c: {  	[tilespmem:s24], [sflag:$0x2] =	stream.indirect.gather [hbm4b:s6+s21], $0x40, s23, s21, $0xb8;
	[tilespmem:$0x14500] =	vst v63  }
0x2d: {  	_ =	swait.ge [sflag:s25], $0x1400  }
0x2e: {  	[sflag:s25] =	ssyncset.done $0x0  }
0x2f: {  	s2 =	simm.s32 $0xA000;
	[sflag:s25] =	ssyncadd.s32 $0xFFFFEC00  }
0x30: {  	[spmem:s3] =	stream.indirect.scatter.add.f32 [tilespmem:s22], [sflag:$0x3], $0x40, s2, s21, $0xb8;
	[tilespmem:$0x14500] =	vst v63  }
0x31: {  	_ =	swait.ge [sflag:s16], $0x1400  }
0x32: {  	[sflag:s16] =	ssyncset.done $0x0  }
0x33: {  	[sflag:s16] =	ssyncadd.s32 $0xFFFFEC00  }
0x34: {  	[spmem:s4] =	stream.indirect.scatter.add.f32 [tilespmem:s18], [sflag:$0x3], $0x10, s2, s21, $0xb8;
	[tilespmem:$0x14500] =	vst v63  }
0x35: {  	_ =	swait.ge [sflag:s16], $0x500  }
0x36: {  	[sflag:s16] =	ssyncset.done $0x0  }
0x37: {  	s0 =	simm.s32 $0xC8A0;
	[sflag:s16] =	ssyncadd.s32 $0xFFFFFB00  }
0x38: {  	[tilespmem:s22], [sflag:$0x1] =	stream.indirect.gather [hbm4b:s6+s21], $0x40, s0, s21, $0xb8;
	[tilespmem:$0x14500] =	vst v63  }
0x39: {  	_ =	swait.ge [sflag:s26], $0x1400  }
0x3a: {  	[sflag:s26] =	ssyncset.done $0x0  }
0x3b: {  	s0 =	simm.s32 $0xA050;
	[sflag:s26] =	ssyncadd.s32 $0xFFFFEC00  }
0x3c: {  	[spmem:s3] =	stream.indirect.scatter.add.f32 [tilespmem:s24], [sflag:$0x3], $0x40, s0, s21, $0xb8;
	[tilespmem:$0x14500] =	vst v63  }
0x3d: {  	_ =	swait.ge [sflag:s16], $0x1400  }
0x3e: {  	[sflag:s16] =	ssyncset.done $0x0  }
0x3f: {  	[sflag:s16] =	ssyncadd.s32 $0xFFFFEC00  }
0x40: {  	[spmem:s4] =	stream.indirect.scatter.add.f32 [tilespmem:s18], [sflag:$0x3], $0x10, s0, s21, $0xb8;
	[tilespmem:$0x14500] =	vst v63  }
0x41: {  	_ =	swait.ge [sflag:s16], $0x500  }
0x42: {  	[sflag:s16] =	ssyncset.done $0x0  }
0x43: {  	s31 =	simm.s32 $0x280;
	s2 =	simm.s32 $0xC8F0;
	[sflag:s16] =	ssyncadd.s32 $0xFFFFFB00  }
.LBB2_2:
0x44: {  	[tilespmem:s24], [sflag:$0x2] =	stream.indirect.gather [hbm4b:s6+s21], $0x40, s2, s21, $0xb8;
	[tilespmem:$0x14500] =	vst v63  }
0x45: {  	s2 =	smov.u32 s31  }
0x46: {  	p0 =	sne.s32 s31, $0x9B00;
	s31 =	sadd.s32 $0x280, s31;
	_ =	swait.ge [sflag:s25], $0x1400  }
0x47: {  	s2 =	sshra.s32 s2, $0x2;
	[sflag:s25] =	ssyncset.done $0x0  }
0x48: {  	s0 =	sadd.s32 $0xA000, s2;
	[sflag:s25] =	ssyncadd.s32 $0xFFFFEC00  }
0x49: {  	[spmem:s3] =	stream.indirect.scatter.add.f32 [tilespmem:s22], [sflag:$0x3], $0x40, s0, s21, $0xb8;
	[tilespmem:$0x14500] =	vst v63  }
0x4a: {  	_ =	swait.ge [sflag:s16], $0x1400  }
0x4b: {  	[sflag:s16] =	ssyncset.done $0x0  }
0x4c: {  	[sflag:s16] =	ssyncadd.s32 $0xFFFFEC00  }
0x4d: {  	[spmem:s4] =	stream.indirect.scatter.add.f32 [tilespmem:s18], [sflag:$0x3], $0x10, s0, s21, $0xb8;
	[tilespmem:$0x14500] =	vst v63  }
0x4e: {  	_ =	swait.ge [sflag:s16], $0x500  }
0x4f: {  	[sflag:s16] =	ssyncset.done $0x0  }
0x50: {  	s0 =	sadd.s32 $0xC8A0, s2;
	[sflag:s16] =	ssyncadd.s32 $0xFFFFFB00  }
0x51: {  	[tilespmem:s22], [sflag:$0x1] =	stream.indirect.gather [hbm4b:s6+s21], $0x40, s0, s21, $0xb8;
	[tilespmem:$0x14500] =	vst v63  }
0x52: {  	_ =	swait.ge [sflag:s26], $0x1400  }
0x53: {  	[sflag:s26] =	ssyncset.done $0x0  }
0x54: {  	s0 =	sadd.s32 $0xA050, s2;
	[sflag:s26] =	ssyncadd.s32 $0xFFFFEC00  }
0x55: {  	[spmem:s3] =	stream.indirect.scatter.add.f32 [tilespmem:s24], [sflag:$0x3], $0x40, s0, s21, $0xb8;
	[tilespmem:$0x14500] =	vst v63  }
0x56: {  	_ =	swait.ge [sflag:s16], $0x1400  }
0x57: {  	[sflag:s16] =	ssyncset.done $0x0  }
.Ltmp0:
0x58: {  	[sflag:s16] =	ssyncadd.s32 $0xFFFFEC00;
	(pc) =	sbr.rel @p0 .LBB2_2-.Ltmp0, $4  }
0x59: {  	[spmem:s4] =	stream.indirect.scatter.add.f32 [tilespmem:s18], [sflag:$0x3], $0x10, s0, s21, $0xb8;
	[tilespmem:$0x14500] =	vst v63  }
0x5a: {  	_ =	swait.ge [sflag:s16], $0x500  }
0x5b: {  	[sflag:s16] =	ssyncset.done $0x0  }
0x5c: {  	s2 =	sadd.s32 $0xC8F0, s2;
	[sflag:s16] =	ssyncadd.s32 $0xFFFFFB00  }
0x5d: {  	[tilespmem:s24], [sflag:$0x2] =	stream.indirect.gather [hbm4b:s6+s21], $0x40, s2, s21, $0xb8;
	[tilespmem:$0x14500] =	vst v63  }
0x5e: {  	_ =	swait.ge [sflag:s25], $0x1400  }
0x5f: {  	[sflag:s25] =	ssyncset.done $0x0  }
0x60: {  	[sflag:s25] =	ssyncadd.s32 $0xFFFFEC00  }
0x61: {  	[spmem:s3] =	stream.indirect.scatter.add.f32 [tilespmem:s22], [sflag:$0x3], $0x40, s28, s21, $0xb8;
	[tilespmem:$0x14500] =	vst v63  }
0x62: {  	_ =	swait.ge [sflag:s16], $0x1400  }
0x63: {  	[sflag:s16] =	ssyncset.done $0x0  }
0x64: {  	[sflag:s16] =	ssyncadd.s32 $0xFFFFEC00  }
0x65: {  	[spmem:s4] =	stream.indirect.scatter.add.f32 [tilespmem:s18], [sflag:$0x3], $0x10, s28, s21, $0xb8;
	[tilespmem:$0x14500] =	vst v63  }
0x66: {  	_ =	swait.ge [sflag:s16], $0x500  }
0x67: {  	[sflag:s16] =	ssyncset.done $0x0  }
0x68: {  	[sflag:s16] =	ssyncadd.s32 $0xFFFFFB00  }
0x69: {  	_ =	swait.ge [sflag:s26], $0x1400  }
0x6a: {  	[sflag:s26] =	ssyncset.done $0x0  }
0x6b: {  	[sflag:s26] =	ssyncadd.s32 $0xFFFFEC00  }
0x6c: {  	[spmem:s3] =	stream.indirect.scatter.add.f32 [tilespmem:s24], [sflag:$0x3], $0x40, s29, s21, $0xb8;
	[tilespmem:$0x14500] =	vst v63  }
0x6d: {  	_ =	swait.ge [sflag:s16], $0x1400  }
0x6e: {  	[sflag:s16] =	ssyncset.done $0x0  }
0x6f: {  	[sflag:s16] =	ssyncadd.s32 $0xFFFFEC00  }
0x70: {  	[spmem:s4] =	stream.indirect.scatter.add.f32 [tilespmem:s18], [sflag:$0x3], $0x10, s29, s21, $0xb8;
	[tilespmem:$0x14500] =	vst v63  }
0x71: {  	_ =	swait.ge [sflag:s16], $0x500  }
0x72: {  	[sflag:s16] =	ssyncset.done $0x0  }
0x73: {  	[sflag:s16] =	ssyncadd.s32 $0xFFFFFB00  }
0x74: {  	[bflag:$0x0] =	sbarrier.arrive $0xFFFF  }
0x75: {  	[hbm:s12], [sflag:s8] =	dma.local [spmem:s15], $0x1400  }
0x76: {  	s30 =	sadd.s32 $0x1, s30;
	_ =	swait.ge [sflag:s16], $0x1400  }
0x77: {  	p0 =	sne.s32 s30, s14;
	[sflag:s16] =	ssyncset.done $0x0  }
.Ltmp1:
0x78: {  	[sflag:s16] =	ssyncadd.s32 $0xFFFFEC00;
	(pc) =	sbr.rel @p0 .LBB2_1-.Ltmp1, $4  }
0x79: {  	[hbm:s13], [sflag:s8] =	dma.local [spmem:s17], $0x500  }
0x7a: {  	_ =	swait.ge [sflag:s16], $0x500  }
0x7b: {  	[sflag:s16] =	ssyncset.done $0x0  }
0x7c: {  	[sflag:s16] =	ssyncadd.s32 $0xFFFFFB00  }
0x7d: {  	_ =	sfence.sel $0x180000  }
0x7e: {  	[bflag:$0x0] =	sbarrier.arrive $0xFFFF  }
0x7f: {  	_ =	strace $0x90000047  }
0x80: {  	s0 =	stileid.u32;
	[bflag:$0x2] =	sbarrier.arrive $0xFFFF  }
0x81: {  	p0 =	sne.s32 s0, $0x0;
	s0 =	rddreg [dreg:$0x4]  }
0x82: {  	s0 =	sadd.s32 @!p0 $0x100000, s0  }
0x83: {  	[sflag:s0] =	ssyncadd.tile.s32 @!p0 $0x1;
	_ =	shalt  }
.Lfunc_end2:
_tile_overlayer_lowered:
.L_overlay_start_2:
0x84: {  	(tag) =	ssettag $0x2  }
0x85: {  	s0 =	rddreg [dreg:$0x0];
	s2 =	stileid.u32  }
0x86: {  	s1 =	rddreg [dreg:$0x1];
	p0 =	sne.s32 s2, $0x0  }
0x87: {  	s3 =	rddreg [dreg:$0x2];
	[bflag:$0x3] =	sbarrier.arrive $0xFFFF;
	s2 =	simm.s32 @!p0 $0x1C03  }
0x88: {  	[timem:s3], [sflag:s2] =	dma.local @!p0 [hbm:s0], s1  }
0x89: {  	s0 =	simm.s32 @!p0 $0x3  }
0x8a: {  	_ =	swait.ge @!p0 [sflag:s0], s1  }
0x8b: {  	s1 =	ssub.s32 @!p0 $0x0, s1;
	[sflag:s0] =	ssyncset.done @!p0 $0x0  }
0x8c: {  	[sflag:s0] =	ssyncadd.s32 @!p0 s1  }
0x8d: {  	[bflag:$0x3] =	sbarrier.arrive $0xFFFF  }
0x8e: {  	_ =	shalt  }

</sc_bundles>
